<compile_context>
chip_gen: v7x
topology: tpu7x:2x2x1
jax: 0.10.2.dev20260603
libtpu: 0.0.44.dev20260713+nightly
codegen_flags: <defaults>
</compile_context>

<pallas_src>
import dataclasses
import functools

import jax
import jax.numpy as jnp
from jax import lax
from jax.experimental import pallas as pl
from jax.experimental.pallas import tpu as pltpu
from jax.experimental.pallas import tpu_sc as plsc

N_NODES = 10000
N_EDGES = 320000
H = 128
EDGES_IN_D = 4
NORM = 100.0

EP = 327680
NP = 10240
GW = 128
CB = 2048


def _tables_body(h_ref, w1at_ref, w1bt_ref, ha_ref, hb_ref):
    hv = h_ref[...]
    ha_ref[...] = jnp.dot(hv, w1at_ref[...], preferred_element_type=jnp.float32)
    hb_ref[...] = jnp.dot(hv, w1bt_ref[...], preferred_element_type=jnp.float32)


def _make_tables(h, w1at, w1bt):
    return pl.pallas_call(
        _tables_body,
        out_shape=(
            jax.ShapeDtypeStruct((N_NODES, H), jnp.float32),
            jax.ShapeDtypeStruct((N_NODES, H), jnp.float32),
        ),
    )(h, w1at, w1bt)


def _gather_sc(ha, hb, row2d, col2d):
    mesh = plsc.VectorSubcoreMesh(core_axis_name="c", subcore_axis_name="s")

    @functools.partial(
        pl.kernel,
        out_type=(
            jax.ShapeDtypeStruct((EP, H), jnp.float32),
            jax.ShapeDtypeStruct((EP, H), jnp.float32),
        ),
        mesh=mesh,
    )
    def gk(ha_hbm, hb_hbm, row_hbm, col_hbm, ga_hbm, gb_hbm):
        def body(ri_vmem, ci_vmem, ga_vmem, gb_vmem):
            pltpu.sync_copy(ha_hbm.at[ri_vmem.at[0]], ga_vmem)
            pltpu.sync_copy(hb_hbm.at[ci_vmem.at[0]], gb_vmem)

        pltpu.emit_pipeline(
            body,
            grid=(EP // GW,),
            in_specs=[
                pl.BlockSpec((1, GW), lambda i: (0, i)),
                pl.BlockSpec((1, GW), lambda i: (0, i)),
            ],
            out_specs=[
                pl.BlockSpec((GW, H), lambda i: (i, 0)),
                pl.BlockSpec((GW, H), lambda i: (i, 0)),
            ],
            core_axis_name=("c", "s"),
            dimension_semantics=(pltpu.PARALLEL,),
        )(row_hbm, col_hbm, ga_hbm, gb_hbm)

    return gk(ha, hb, row2d, col2d)


def _mlp_body(ga_ref, gb_ref, ea_ref, cd_ref, em_ref,
              w1ct_ref, b1_ref, w2t_ref, b2_ref, w3t_ref, out_ref):
    pre1 = (ga_ref[...] + gb_ref[...] + b1_ref[...]
            + jnp.dot(ea_ref[...], w1ct_ref[...],
                      preferred_element_type=jnp.float32))
    x1 = pre1 * jax.nn.sigmoid(pre1)
    pre2 = jnp.dot(x1, w2t_ref[...],
                   preferred_element_type=jnp.float32) + b2_ref[...]
    x2 = pre2 * jax.nn.sigmoid(pre2)
    m = jnp.dot(x2, w3t_ref[...], preferred_element_type=jnp.float32)
    out_ref[...] = cd_ref[...] * (m * (1.0 / NORM)) * em_ref[...]


def _edge_mlp(ga, gb, ea, cd4, em, w1ct, b1, w2t, b2, w3t):
    nblk = EP // CB
    full = lambda i: (0, 0)
    return pl.pallas_call(
        _mlp_body,
        grid=(nblk,),
        in_specs=[
            pl.BlockSpec((CB, H), lambda i: (i, 0)),
            pl.BlockSpec((CB, H), lambda i: (i, 0)),
            pl.BlockSpec((CB, EDGES_IN_D), lambda i: (i, 0)),
            pl.BlockSpec((CB, 4), lambda i: (i, 0)),
            pl.BlockSpec((CB, 1), lambda i: (i, 0)),
            pl.BlockSpec((EDGES_IN_D, H), full),
            pl.BlockSpec((1, H), full),
            pl.BlockSpec((H, H), full),
            pl.BlockSpec((1, H), full),
            pl.BlockSpec((H, 1), full),
        ],
        out_specs=pl.BlockSpec((CB, 4), lambda i: (i, 0)),
        out_shape=jax.ShapeDtypeStruct((EP, 4), jnp.float32),
    )(ga, gb, ea, cd4, em, w1ct, b1, w2t, b2, w3t)


def _sc_compiler_params():
    cp = pltpu.CompilerParams()
    if "needs_layout_passes" in pltpu.CompilerParams.__dataclass_fields__:
        cp = dataclasses.replace(cp, needs_layout_passes=False)
    return cp


def _scatter_sc(row, trans_flat, zeros_flat):
    mesh = plsc.VectorSubcoreMesh(core_axis_name="c", subcore_axis_name="s")
    per_worker = EP // 32
    nchunks = per_worker // GW

    @functools.partial(
        pl.kernel,
        out_type=jax.ShapeDtypeStruct((32, NP * 4), jnp.float32),
        mesh=mesh,
        scratch_types=[
            pltpu.VMEM((NP * 4,), jnp.float32),
            pltpu.VMEM((GW,), jnp.int32),
            pltpu.VMEM((GW * 4,), jnp.float32),
        ],
        compiler_params=_sc_compiler_params(),
    )
    def sk(row_hbm, trans_hbm, zero_hbm, parts_hbm, acc_v, idx_v, dat_v):
        cid = lax.axis_index("c")
        sid = lax.axis_index("s")
        wid = cid * 16 + sid
        base = wid * per_worker

        pltpu.sync_copy(zero_hbm, acc_v)
        sel = lax.iota(jnp.int32, 16) // 4
        lane4 = lax.iota(jnp.int32, 16) % 4

        @pl.loop(0, nchunks)
        def _(c):
            off = base + c * GW
            pltpu.sync_copy(row_hbm.at[pl.ds(off, GW)], idx_v)
            pltpu.sync_copy(trans_hbm.at[pl.ds(off * 4, GW * 4)], dat_v)
            for g in range(GW // 4):
                rows = plsc.load_gather(idx_v, [sel + g * 4])
                tgt = rows * 4 + lane4
                vals = dat_v[pl.ds(g * 16, 16)]
                plsc.addupdate_scatter(acc_v, [tgt], vals)

        pltpu.sync_copy(acc_v, parts_hbm.at[wid])

    return sk(row, trans_flat, zeros_flat)


def _combine_body(parts_ref, cm_ref, nm_ref, out_ref):
    out_ref[...] = (cm_ref[...] + jnp.sum(parts_ref[...], axis=0)) * nm_ref[...]


def _combine(parts, cm, nm):
    return pl.pallas_call(
        _combine_body,
        out_shape=jax.ShapeDtypeStruct((NP * 4 // 128, 128), jnp.float32),
    )(parts, cm, nm)


def kernel(h, coord, edge_index, coord_diff, edge_attr, node_mask, edge_mask,
           W1, b1, W2, b2, W3):
    f32 = jnp.float32
    row = edge_index[0].astype(jnp.int32)
    col = edge_index[1].astype(jnp.int32)

    w1t = W1.T
    w1at = w1t[:H]
    w1bt = w1t[H:2 * H]
    w1ct = w1t[2 * H:]
    b1r = b1.reshape(1, H)
    b2r = b2.reshape(1, H)
    w2t = W2.T
    w3t = W3.T

    pe = EP - N_EDGES
    rowp = jnp.pad(row, (0, pe))
    colp = jnp.pad(col, (0, pe))
    eap = jnp.pad(edge_attr, ((0, pe), (0, 0)))
    cd4p = jnp.pad(coord_diff, ((0, pe), (0, 1)))
    emp = jnp.pad(edge_mask, ((0, pe), (0, 0)))

    ha, hb = _make_tables(h, w1at, w1bt)
    ga, gb = _gather_sc(ha, hb, rowp.reshape(1, EP), colp.reshape(1, EP))
    trans4 = _edge_mlp(ga, gb, eap, cd4p, emp, w1ct, b1r, w2t, b2r, w3t)

    zeros_flat = jnp.zeros((NP * 4,), dtype=f32)
    parts = _scatter_sc(rowp, trans4.reshape(EP * 4), zeros_flat)

    cm = jnp.pad(coord, ((0, NP - N_NODES), (0, 1))).reshape(NP * 4 // 128, 128)
    nm = jnp.pad(jnp.broadcast_to(node_mask, (N_NODES, 4)),
                 ((0, NP - N_NODES), (0, 0))).reshape(NP * 4 // 128, 128)
    out = _combine(parts.reshape(32, NP * 4 // 128, 128), cm, nm)
    return out.reshape(NP, 4)[:N_NODES, :3]

# --- scband reference (transcript-rebuilt; emitter-appended) ---
"""Pipeline reference for scband-equivariant-update-71846212927515 (READ-ONLY COPY).

The authoritative reference and input builder live on the scoring server;
editing this copy changes nothing except your own understanding.
"""

import jax, jax.numpy as jnp
import numpy as np

HIDDEN_NF = 128
EDGES_IN_D = 4
N_NODES = 10000
N_EDGES = 320000
NORM_FACTOR = 100.0


def setup_inputs(seed: int = 0) -> dict:
    key = jax.random.key(seed)
    ks = jax.random.split(key, 12)
    h = jax.random.normal(ks[0], (N_NODES, HIDDEN_NF), dtype=jnp.float32)
    coord = jax.random.normal(ks[1], (N_NODES, 3), dtype=jnp.float32)
    edge_index = jax.random.randint(ks[2], (2, N_EDGES), 0, N_NODES, dtype=jnp.int64)
    coord_diff = jax.random.normal(ks[3], (N_EDGES, 3), dtype=jnp.float32)
    edge_attr = jax.random.normal(ks[4], (N_EDGES, EDGES_IN_D), dtype=jnp.float32)
    node_mask = jnp.ones((N_NODES, 1), dtype=jnp.float32)
    edge_mask = jnp.ones((N_EDGES, 1), dtype=jnp.float32)
    input_edge = HIDDEN_NF * 2 + EDGES_IN_D
    # Xavier-uniform-ish init for MLP weights (torch Linear: weight[out,in])
    lim1 = float(np.sqrt(6.0 / (input_edge + HIDDEN_NF)))
    W1 = jax.random.uniform(ks[5], (HIDDEN_NF, input_edge), minval=-lim1, maxval=lim1, dtype=jnp.float32)
    b1 = jnp.zeros((HIDDEN_NF,), dtype=jnp.float32)
    lim2 = float(np.sqrt(6.0 / (HIDDEN_NF + HIDDEN_NF)))
    W2 = jax.random.uniform(ks[6], (HIDDEN_NF, HIDDEN_NF), minval=-lim2, maxval=lim2, dtype=jnp.float32)
    b2 = jnp.zeros((HIDDEN_NF,), dtype=jnp.float32)
    lim3 = 0.001 * float(np.sqrt(6.0 / (HIDDEN_NF + 1)))
    W3 = jax.random.uniform(ks[7], (1, HIDDEN_NF), minval=-lim3, maxval=lim3, dtype=jnp.float32)
    return {"h": h, "coord": coord, "edge_index": edge_index, "coord_diff": coord_diff,
            "edge_attr": edge_attr, "node_mask": node_mask, "edge_mask": edge_mask,
            "W1": W1, "b1": b1, "W2": W2, "b2": b2, "W3": W3}


def reference(h, coord, edge_index, coord_diff, edge_attr, node_mask, edge_mask, W1, b1, W2, b2, W3):
    row = edge_index[0]
    col = edge_index[1]
    inp = jnp.concatenate([jnp.take(h, row, axis=0), jnp.take(h, col, axis=0), edge_attr], axis=1)
    x = jax.nn.silu(inp @ W1.T + b1)
    x = jax.nn.silu(x @ W2.T + b2)
    m = x @ W3.T  # [E, 1]
    trans = coord_diff * m
    trans = trans * edge_mask
    agg = jax.ops.segment_sum(trans, row, num_segments=coord.shape[0]) / NORM_FACTOR
    coord_out = coord + agg
    coord_out = coord_out * node_mask
    return coord_out

if __name__ == "__main__":
    import jax
    _d = setup_inputs()
    print(jax.jit(kernel)(*tuple(_d.values())))

</pallas_src>

<mosaic_0001>
#map = affine_map<(d0, d1) -> (0, 0)>
module attributes {stable_mosaic.version = 14 : i64} {
  func.func @gk(%arg0: i32, %arg1: i32, %arg2: memref<10000x128xf32, #tpu.memory_space<hbm>>, %arg3: memref<10000x128xf32, #tpu.memory_space<hbm>>, %arg4: memref<1x327680xi32, #tpu.memory_space<hbm>>, %arg5: memref<1x327680xi32, #tpu.memory_space<hbm>>, %arg6: memref<327680x128xf32, #tpu.memory_space<hbm>>, %arg7: memref<327680x128xf32, #tpu.memory_space<hbm>>) attributes {dimension_semantics = [#tpu.dimension_semantics<core_parallel>, #tpu.dimension_semantics<subcore_parallel>], iteration_bounds = array<i64: 2, 16>, scalar_prefetch = 0 : i64, scratch_operands = 0 : i64, tpu.core_type = #tpu.core_type<sc_vector_subcore>, window_params = [{transform_indices = #map}, {transform_indices = #map}, {transform_indices = #map}, {transform_indices = #map}, {transform_indices = #map}, {transform_indices = #map}]} {
    %mul3A = arith.constant 1 : i32
    %mul3A_0 = arith.muli %arg1, %mul3A : i32
    %add3A = arith.constant 0 : i32
    %add3A_1 = arith.addi %add3A, %mul3A_0 : i32
    %mul3A_2 = arith.constant 16 : i32
    %mul3A_3 = arith.muli %arg0, %mul3A_2 : i32
    %add3A_4 = arith.addi %add3A_1, %mul3A_3 : i32
    %mul3A_5 = arith.constant 80 : i32
    %mul3A_6 = arith.muli %add3A_4, %mul3A_5 : i32
    "tpu.region"() ({
      %run_scoped3A = memref.alloca() : memref<2x1x128xi32, #tpu.memory_space<vmem>>
      %run_scoped3A_7 = tpu.sem_alloc : memref<2x!tpu.dma_semaphore, #tpu.memory_space<semaphore_mem>>
      %run_scoped3A_8 = memref.alloca() : memref<2x1x128xi32, #tpu.memory_space<vmem>>
      %run_scoped3A_9 = tpu.sem_alloc : memref<2x!tpu.dma_semaphore, #tpu.memory_space<semaphore_mem>>
      %run_scoped3A_10 = memref.alloca() : memref<2x128x128xf32, #tpu.memory_space<vmem>>
      %run_scoped3A_11 = tpu.sem_alloc : memref<2x!tpu.dma_semaphore, #tpu.memory_space<semaphore_mem>>
      %run_scoped3A_12 = memref.alloca() : memref<2x128x128xf32, #tpu.memory_space<vmem>>
      %run_scoped3A_13 = tpu.sem_alloc : memref<2x!tpu.dma_semaphore, #tpu.memory_space<semaphore_mem>>
      %add3A_14 = arith.constant 0 : i32
      %add3A_15 = arith.addi %add3A_14, %mul3A_6 : i32
      %select_n3A = arith.constant true
      %select_n3A_16 = arith.constant 0 : i32
      %select_n3A_17 = arith.constant -1 : i32
      %select_n3A_18 = arith.select %select_n3A, %select_n3A_17, %select_n3A_16 : i32
      %eq3A = arith.constant -1 : i32
      %eq3A_19 = arith.cmpi eq, %select_n3A_18, %eq3A : i32
      %select_n3A_20 = arith.constant 79 : i32
      %select_n3A_21 = arith.select %eq3A_19, %select_n3A_20, %select_n3A_18 : i32
      %add3A_22 = arith.addi %select_n3A_21, %mul3A_6 : i32
      %select_n3A_23 = arith.constant true
      %select_n3A_24 = arith.constant 0 : i32
      %select_n3A_25 = arith.constant 1 : i32
      %select_n3A_26 = arith.select %select_n3A_23, %select_n3A_25, %select_n3A_24 : i32
      %eq3A_27 = arith.constant 80 : i32
      %eq3A_28 = arith.cmpi eq, %select_n3A_26, %eq3A_27 : i32
      %select_n3A_29 = arith.constant 0 : i32
      %select_n3A_30 = arith.select %eq3A_28, %select_n3A_29, %select_n3A_26 : i32
      %add3A_31 = arith.addi %select_n3A_30, %mul3A_6 : i32
      %add3A_32 = arith.constant 1 : i32
      %add3A_33 = arith.addi %select_n3A_30, %add3A_32 : i32
      %select_n3A_34 = arith.constant true
      %select_n3A_35 = arith.select %select_n3A_34, %add3A_33, %select_n3A_30 : i32
      %eq3A_36 = arith.constant 80 : i32
      %eq3A_37 = arith.cmpi eq, %select_n3A_35, %eq3A_36 : i32
      %select_n3A_38 = arith.constant 0 : i32
      %select_n3A_39 = arith.select %eq3A_37, %select_n3A_38, %select_n3A_35 : i32
      %add3A_40 = arith.addi %select_n3A_39, %mul3A_6 : i32
      "tpu.trace_start"() <{level = 10 : i32, message = "ep_initialize_0"}> : () -> ()
      %rem3A = arith.constant 0 : i32
      %rem3A_41 = arith.constant 2 : i32
      %rem3A_42 = arith.remui %rem3A, %rem3A_41 : i32
      %mul3A_43 = arith.constant 128 : i32
      %mul3A_44 = arith.muli %mul3A_43, %add3A_15 : i32
      %dma_start3A = arith.constant 0 : i32
      %dma_start3A_45 = arith.constant 0 : i32
      %dma_start3A_46 = tpu.memref_slice %run_scoped3A[%rem3A_42, %dma_start3A, %dma_start3A_45] : memref<2x1x128xi32, #tpu.memory_space<vmem>> -> memref<1x1x128xi32, #tpu.memory_space<vmem>>
      %dma_start3A_47 = tpu.memref_squeeze %dma_start3A_46 : memref<1x1x128xi32, #tpu.memory_space<vmem>> -> memref<1x128xi32, #tpu.memory_space<vmem>>
      %dma_start3A_48 = arith.constant 0 : i32
      %dma_start3A_49 = tpu.memref_slice %arg4[%dma_start3A_48, %mul3A_44] : memref<1x327680xi32, #tpu.memory_space<hbm>> -> memref<1x128xi32, #tpu.memory_space<hbm>>
      %dma_start3A_50 = tpu.memref_slice %run_scoped3A_7[%rem3A_42] : memref<2x!tpu.dma_semaphore, #tpu.memory_space<semaphore_mem>> -> memref<1x!tpu.dma_semaphore, #tpu.memory_space<semaphore_mem>>
      %dma_start3A_51 = tpu.memref_squeeze %dma_start3A_50 : memref<1x!tpu.dma_semaphore, #tpu.memory_space<semaphore_mem>> -> memref<!tpu.dma_semaphore, #tpu.memory_space<semaphore_mem>>
      %dma_start3A_52 = arith.constant 0 : i32
      %dma_start3A_53 = arith.constant 0 : i32
      %dma_start3A_54 = tpu.memref_slice %run_scoped3A[%rem3A_42, %dma_start3A_52, %dma_start3A_53] : memref<2x1x128xi32, #tpu.memory_space<vmem>> -> memref<1x1x128xi32, #tpu.memory_space<vmem>>
      %dma_start3A_55 = tpu.memref_squeeze %dma_start3A_54 : memref<1x1x128xi32, #tpu.memory_space<vmem>> -> memref<1x128xi32, #tpu.memory_space<vmem>>
      %dma_start3A_56 = arith.constant 0 : i32
      %dma_start3A_57 = tpu.memref_slice %arg4[%dma_start3A_56, %mul3A_44] : memref<1x327680xi32, #tpu.memory_space<hbm>> -> memref<1x128xi32, #tpu.memory_space<hbm>>
      tpu.enqueue_dma source(%dma_start3A_57 : memref<1x128xi32, #tpu.memory_space<hbm>>) target(%dma_start3A_55 : memref<1x128xi32, #tpu.memory_space<vmem>>) target_semaphore(%dma_start3A_51 : memref<!tpu.dma_semaphore, #tpu.memory_space<semaphore_mem>>)
      %add3A_58 = arith.constant 0 : i32
      %add3A_59 = arith.constant 1 : i32
      %add3A_60 = arith.addi %add3A_58, %add3A_59 : i32
      %select_n3A_61 = arith.constant true
      %select_n3A_62 = arith.constant 0 : i32
      %select_n3A_63 = arith.select %select_n3A_61, %add3A_60, %select_n3A_62 : i32
      %rem3A_64 = arith.constant 0 : i32
      %rem3A_65 = arith.constant 2 : i32
      %rem3A_66 = arith.remui %rem3A_64, %rem3A_65 : i32
      %mul3A_67 = arith.constant 128 : i32
      %mul3A_68 = arith.muli %mul3A_67, %add3A_15 : i32
      %dma_start3A_69 = arith.constant 0 : i32
      %dma_start3A_70 = arith.constant 0 : i32
      %dma_start3A_71 = tpu.memref_slice %run_scoped3A_8[%rem3A_66, %dma_start3A_69, %dma_start3A_70] : memref<2x1x128xi32, #tpu.memory_space<vmem>> -> memref<1x1x128xi32, #tpu.memory_space<vmem>>
      %dma_start3A_72 = tpu.memref_squeeze %dma_start3A_71 : memref<1x1x128xi32, #tpu.memory_space<vmem>> -> memref<1x128xi32, #tpu.memory_space<vmem>>
      %dma_start3A_73 = arith.constant 0 : i32
      %dma_start3A_74 = tpu.memref_slice %arg5[%dma_start3A_73, %mul3A_68] : memref<1x327680xi32, #tpu.memory_space<hbm>> -> memref<1x128xi32, #tpu.memory_space<hbm>>
      %dma_start3A_75 = tpu.memref_slice %run_scoped3A_9[%rem3A_66] : memref<2x!tpu.dma_semaphore, #tpu.memory_space<semaphore_mem>> -> memref<1x!tpu.dma_semaphore, #tpu.memory_space<semaphore_mem>>
      %dma_start3A_76 = tpu.memref_squeeze %dma_start3A_75 : memref<1x!tpu.dma_semaphore, #tpu.memory_space<semaphore_mem>> -> memref<!tpu.dma_semaphore, #tpu.memory_space<semaphore_mem>>
      %dma_start3A_77 = arith.constant 0 : i32
      %dma_start3A_78 = arith.constant 0 : i32
      %dma_start3A_79 = tpu.memref_slice %run_scoped3A_8[%rem3A_66, %dma_start3A_77, %dma_start3A_78] : memref<2x1x128xi32, #tpu.memory_space<vmem>> -> memref<1x1x128xi32, #tpu.memory_space<vmem>>
      %dma_start3A_80 = tpu.memref_squeeze %dma_start3A_79 : memref<1x1x128xi32, #tpu.memory_space<vmem>> -> memref<1x128xi32, #tpu.memory_space<vmem>>
      %dma_start3A_81 = arith.constant 0 : i32
      %dma_start3A_82 = tpu.memref_slice %arg5[%dma_start3A_81, %mul3A_68] : memref<1x327680xi32, #tpu.memory_space<hbm>> -> memref<1x128xi32, #tpu.memory_space<hbm>>
      tpu.enqueue_dma source(%dma_start3A_82 : memref<1x128xi32, #tpu.memory_space<hbm>>) target(%dma_start3A_80 : memref<1x128xi32, #tpu.memory_space<vmem>>) target_semaphore(%dma_start3A_76 : memref<!tpu.dma_semaphore, #tpu.memory_space<semaphore_mem>>)
      %add3A_83 = arith.constant 0 : i32
      %add3A_84 = arith.constant 1 : i32
      %add3A_85 = arith.addi %add3A_83, %add3A_84 : i32
      %select_n3A_86 = arith.constant true
      %select_n3A_87 = arith.constant 0 : i32
      %select_n3A_88 = arith.select %select_n3A_86, %add3A_85, %select_n3A_87 : i32
      "tpu.trace_stop"() : () -> ()
      %scan3A = arith.constant 0 : i32
      %scan3A_89 = arith.constant 0 : i32
      %scan3A_90 = arith.constant 0 : i32
      %scan3A_91 = arith.constant 0 : i32
      %scan3A_92 = arith.constant 0 : i32
      %scan3A_93 = arith.constant 0 : i32
      %scan3A_94 = arith.constant 0 : i32
      %scan3A_95 = arith.constant 0 : i32
      %scan3A_96 = arith.constant 80 : i32
      %scan3A_97 = arith.addi %scan3A_95, %scan3A_96 : i32
      %scan3A_98 = arith.constant 1 : i32
      %scan3A_99:9 = scf.for %scan3A_171 = %scan3A_95 to %scan3A_97 step %scan3A_98 iter_args(%scan3A_172 = %select_n3A_63, %scan3A_173 = %scan3A, %scan3A_174 = %select_n3A_88, %scan3A_175 = %scan3A_89, %scan3A_176 = %scan3A_90, %scan3A_177 = %scan3A_91, %scan3A_178 = %scan3A_92, %scan3A_179 = %scan3A_93, %scan3A_180 = %scan3A_94) -> (i32, i32, i32, i32, i32, i32, i32, i32, i32)  : i32 {
        %eq3A_181 = arith.constant 0 : i32
        %eq3A_182 = arith.cmpi eq, %scan3A_171, %eq3A_181 : i32
        %eq3A_183 = arith.constant 79 : i32
        %eq3A_184 = arith.cmpi eq, %scan3A_171, %eq3A_183 : i32
        %add3A_185 = arith.addi %scan3A_180, %mul3A_6 : i32
        %sub3A_186 = arith.constant 1 : i32
        %sub3A_187 = arith.subi %scan3A_180, %sub3A_186 : i32
        %select_n3A_188 = arith.constant true
        %select_n3A_189 = arith.select %select_n3A_188, %sub3A_187, %scan3A_180 : i32
        %eq3A_190 = arith.constant -1 : i32
        %eq3A_191 = arith.cmpi eq, %select_n3A_189, %eq3A_190 : i32
        %select_n3A_192 = arith.constant 79 : i32
        %select_n3A_193 = arith.select %eq3A_191, %select_n3A_192, %select_n3A_189 : i32
        %add3A_194 = arith.addi %select_n3A_193, %mul3A_6 : i32
        %add3A_195 = arith.constant 1 : i32
        %add3A_196 = arith.addi %scan3A_180, %add3A_195 : i32
        %select_n3A_197 = arith.constant true
        %select_n3A_198 = arith.select %select_n3A_197, %add3A_196, %scan3A_180 : i32
        %eq3A_199 = arith.constant 80 : i32
        %eq3A_200 = arith.cmpi eq, %select_n3A_198, %eq3A_199 : i32
        %select_n3A_201 = arith.constant 0 : i32
        %select_n3A_202 = arith.select %eq3A_200, %select_n3A_201, %select_n3A_198 : i32
        %add3A_203 = arith.addi %select_n3A_202, %mul3A_6 : i32
        %add3A_204 = arith.constant 1 : i32
        %add3A_205 = arith.addi %select_n3A_202, %add3A_204 : i32
        %select_n3A_206 = arith.constant true
        %select_n3A_207 = arith.select %select_n3A_206, %add3A_205, %select_n3A_202 : i32
        %eq3A_208 = arith.constant 80 : i32
        %eq3A_209 = arith.cmpi eq, %select_n3A_207, %eq3A_208 : i32
        %select_n3A_210 = arith.constant 0 : i32
        %select_n3A_211 = arith.select %eq3A_209, %select_n3A_210, %select_n3A_207 : i32
        %add3A_212 = arith.addi %select_n3A_211, %mul3A_6 : i32
        %ne3A = arith.cmpi ne, %add3A_185, %add3A_203 : i32
        %or3A = arith.constant false
        %or3A_213 = arith.ori %or3A, %ne3A : i1
        %ge3A = arith.constant 79 : i32
        %ge3A_214 = arith.cmpi sge, %scan3A_171, %ge3A : i32
        %not3A = arith.constant true
        %not3A_215 = arith.xori %ge3A_214, %not3A : i1
        %and3A = arith.andi %or3A_213, %not3A_215 : i1
        %convert_element_type3A = arith.extui %and3A : i1 to i32
        %cond3A = arith.constant 0 : i32
        %cond3A_216 = arith.cmpi ne, %convert_element_type3A, %cond3A : i32
        scf.if %cond3A_216 {
          "tpu.trace_start"() <{level = 10 : i32, message = "ep_copy_in"}> : () -> ()
          %rem3A_422 = arith.constant 2 : i32
          %rem3A_423 = arith.remui %scan3A_172, %rem3A_422 : i32
          %mul3A_424 = arith.constant 128 : i32
          %mul3A_425 = arith.muli %mul3A_424, %add3A_203 : i32
          %dma_start3A_426 = arith.constant 0 : i32
          %dma_start3A_427 = arith.constant 0 : i32
          %dma_start3A_428 = tpu.memref_slice %run_scoped3A[%rem3A_423, %dma_start3A_426, %dma_start3A_427] : memref<2x1x128xi32, #tpu.memory_space<vmem>> -> memref<1x1x128xi32, #tpu.memory_space<vmem>>
          %dma_start3A_429 = tpu.memref_squeeze %dma_start3A_428 : memref<1x1x128xi32, #tpu.memory_space<vmem>> -> memref<1x128xi32, #tpu.memory_space<vmem>>
          %dma_start3A_430 = arith.constant 0 : i32
          %dma_start3A_431 = tpu.memref_slice %arg4[%dma_start3A_430, %mul3A_425] : memref<1x327680xi32, #tpu.memory_space<hbm>> -> memref<1x128xi32, #tpu.memory_space<hbm>>
          %dma_start3A_432 = tpu.memref_slice %run_scoped3A_7[%rem3A_423] : memref<2x!tpu.dma_semaphore, #tpu.memory_space<semaphore_mem>> -> memref<1x!tpu.dma_semaphore, #tpu.memory_space<semaphore_mem>>
          %dma_start3A_433 = tpu.memref_squeeze %dma_start3A_432 : memref<1x!tpu.dma_semaphore, #tpu.memory_space<semaphore_mem>> -> memref<!tpu.dma_semaphore, #tpu.memory_space<semaphore_mem>>
          %dma_start3A_434 = arith.constant 0 : i32
          %dma_start3A_435 = arith.constant 0 : i32
          %dma_start3A_436 = tpu.memref_slice %run_scoped3A[%rem3A_423, %dma_start3A_434, %dma_start3A_435] : memref<2x1x128xi32, #tpu.memory_space<vmem>> -> memref<1x1x128xi32, #tpu.memory_space<vmem>>
          %dma_start3A_437 = tpu.memref_squeeze %dma_start3A_436 : memref<1x1x128xi32, #tpu.memory_space<vmem>> -> memref<1x128xi32, #tpu.memory_space<vmem>>
          %dma_start3A_438 = arith.constant 0 : i32
          %dma_start3A_439 = tpu.memref_slice %arg4[%dma_start3A_438, %mul3A_425] : memref<1x327680xi32, #tpu.memory_space<hbm>> -> memref<1x128xi32, #tpu.memory_space<hbm>>
          tpu.enqueue_dma source(%dma_start3A_439 : memref<1x128xi32, #tpu.memory_space<hbm>>) target(%dma_start3A_437 : memref<1x128xi32, #tpu.memory_space<vmem>>) target_semaphore(%dma_start3A_433 : memref<!tpu.dma_semaphore, #tpu.memory_space<semaphore_mem>>)
          "tpu.trace_stop"() : () -> ()
        } else {
        }
        %and3A_217 = arith.constant true
        %and3A_218 = arith.andi %and3A, %and3A_217 : i1
        %add3A_219 = arith.constant 1 : i32
        %add3A_220 = arith.addi %scan3A_172, %add3A_219 : i32
        %select_n3A_221 = arith.select %and3A_218, %add3A_220, %scan3A_172 : i32
        %ne3A_222 = arith.cmpi ne, %add3A_185, %add3A_203 : i32
        %or3A_223 = arith.constant false
        %or3A_224 = arith.ori %or3A_223, %ne3A_222 : i1
        %ge3A_225 = arith.constant 79 : i32
        %ge3A_226 = arith.cmpi sge, %scan3A_171, %ge3A_225 : i32
        %not3A_227 = arith.constant true
        %not3A_228 = arith.xori %ge3A_226, %not3A_227 : i1
        %and3A_229 = arith.andi %or3A_224, %not3A_228 : i1
        %convert_element_type3A_230 = arith.extui %and3A_229 : i1 to i32
        %cond3A_231 = arith.constant 0 : i32
        %cond3A_232 = arith.cmpi ne, %convert_element_type3A_230, %cond3A_231 : i32
        scf.if %cond3A_232 {
          "tpu.trace_start"() <{level = 10 : i32, message = "ep_copy_in"}> : () -> ()
          %rem3A_422 = arith.constant 2 : i32
          %rem3A_423 = arith.remui %scan3A_174, %rem3A_422 : i32
          %mul3A_424 = arith.constant 128 : i32
          %mul3A_425 = arith.muli %mul3A_424, %add3A_203 : i32
          %dma_start3A_426 = arith.constant 0 : i32
          %dma_start3A_427 = arith.constant 0 : i32
          %dma_start3A_428 = tpu.memref_slice %run_scoped3A_8[%rem3A_423, %dma_start3A_426, %dma_start3A_427] : memref<2x1x128xi32, #tpu.memory_space<vmem>> -> memref<1x1x128xi32, #tpu.memory_space<vmem>>
          %dma_start3A_429 = tpu.memref_squeeze %dma_start3A_428 : memref<1x1x128xi32, #tpu.memory_space<vmem>> -> memref<1x128xi32, #tpu.memory_space<vmem>>
          %dma_start3A_430 = arith.constant 0 : i32
          %dma_start3A_431 = tpu.memref_slice %arg5[%dma_start3A_430, %mul3A_425] : memref<1x327680xi32, #tpu.memory_space<hbm>> -> memref<1x128xi32, #tpu.memory_space<hbm>>
          %dma_start3A_432 = tpu.memref_slice %run_scoped3A_9[%rem3A_423] : memref<2x!tpu.dma_semaphore, #tpu.memory_space<semaphore_mem>> -> memref<1x!tpu.dma_semaphore, #tpu.memory_space<semaphore_mem>>
          %dma_start3A_433 = tpu.memref_squeeze %dma_start3A_432 : memref<1x!tpu.dma_semaphore, #tpu.memory_space<semaphore_mem>> -> memref<!tpu.dma_semaphore, #tpu.memory_space<semaphore_mem>>
          %dma_start3A_434 = arith.constant 0 : i32
          %dma_start3A_435 = arith.constant 0 : i32
          %dma_start3A_436 = tpu.memref_slice %run_scoped3A_8[%rem3A_423, %dma_start3A_434, %dma_start3A_435] : memref<2x1x128xi32, #tpu.memory_space<vmem>> -> memref<1x1x128xi32, #tpu.memory_space<vmem>>
          %dma_start3A_437 = tpu.memref_squeeze %dma_start3A_436 : memref<1x1x128xi32, #tpu.memory_space<vmem>> -> memref<1x128xi32, #tpu.memory_space<vmem>>
          %dma_start3A_438 = arith.constant 0 : i32
          %dma_start3A_439 = tpu.memref_slice %arg5[%dma_start3A_438, %mul3A_425] : memref<1x327680xi32, #tpu.memory_space<hbm>> -> memref<1x128xi32, #tpu.memory_space<hbm>>
          tpu.enqueue_dma source(%dma_start3A_439 : memref<1x128xi32, #tpu.memory_space<hbm>>) target(%dma_start3A_437 : memref<1x128xi32, #tpu.memory_space<vmem>>) target_semaphore(%dma_start3A_433 : memref<!tpu.dma_semaphore, #tpu.memory_space<semaphore_mem>>)
          "tpu.trace_stop"() : () -> ()
        } else {
        }
        %and3A_233 = arith.constant true
        %and3A_234 = arith.andi %and3A_229, %and3A_233 : i1
        %add3A_235 = arith.constant 1 : i32
        %add3A_236 = arith.addi %scan3A_174, %add3A_235 : i32
        %select_n3A_237 = arith.select %and3A_234, %add3A_236, %scan3A_174 : i32
        %ne3A_238 = arith.cmpi ne, %add3A_185, %add3A_203 : i32
        %or3A_239 = arith.constant false
        %or3A_240 = arith.ori %or3A_239, %ne3A_238 : i1
        %or3A_241 = arith.constant false
        %or3A_242 = arith.ori %or3A_240, %or3A_241 : i1
        %ge3A_243 = arith.constant 79 : i32
        %ge3A_244 = arith.cmpi sge, %scan3A_171, %ge3A_243 : i32
        %not3A_245 = arith.constant true
        %not3A_246 = arith.xori %ge3A_244, %not3A_245 : i1
        %and3A_247 = arith.andi %or3A_242, %not3A_246 : i1
        %ne3A_248 = arith.cmpi ne, %add3A_185, %add3A_203 : i32
        %or3A_249 = arith.constant false
        %or3A_250 = arith.ori %or3A_249, %ne3A_248 : i1
        %or3A_251 = arith.constant false
        %or3A_252 = arith.ori %or3A_250, %or3A_251 : i1
        %ge3A_253 = arith.constant 79 : i32
        %ge3A_254 = arith.cmpi sge, %scan3A_171, %ge3A_253 : i32
        %not3A_255 = arith.constant true
        %not3A_256 = arith.xori %ge3A_254, %not3A_255 : i1
        %and3A_257 = arith.andi %or3A_252, %not3A_256 : i1
        %ne3A_258 = arith.cmpi ne, %add3A_185, %add3A_194 : i32
        %or3A_259 = arith.constant false
        %or3A_260 = arith.ori %or3A_259, %ne3A_258 : i1
        %or3A_261 = arith.ori %or3A_260, %eq3A_182 : i1
        %convert_element_type3A_262 = arith.extui %or3A_261 : i1 to i32
        %cond3A_263 = arith.constant 0 : i32
        %cond3A_264 = arith.cmpi ne, %convert_element_type3A_262, %cond3A_263 : i32
        scf.if %cond3A_264 {
          "tpu.trace_start"() <{level = 10 : i32, message = "ep_wait_in"}> : () -> ()
          %mul3A_422 = arith.constant 128 : i32
          %mul3A_423 = arith.muli %mul3A_422, %add3A_185 : i32
          %rem3A_424 = arith.constant 2 : i32
          %rem3A_425 = arith.remui %scan3A_173, %rem3A_424 : i32
          %dma_wait3A_426 = arith.constant 0 : i32
          %dma_wait3A_427 = arith.constant 0 : i32
          %dma_wait3A_428 = tpu.memref_slice %run_scoped3A[%rem3A_425, %dma_wait3A_426, %dma_wait3A_427] : memref<2x1x128xi32, #tpu.memory_space<vmem>> -> memref<1x1x128xi32, #tpu.memory_space<vmem>>
          %dma_wait3A_429 = tpu.memref_squeeze %dma_wait3A_428 : memref<1x1x128xi32, #tpu.memory_space<vmem>> -> memref<1x128xi32, #tpu.memory_space<vmem>>
          %dma_wait3A_430 = arith.constant 0 : i32
          %dma_wait3A_431 = tpu.memref_slice %arg4[%dma_wait3A_430, %mul3A_423] : memref<1x327680xi32, #tpu.memory_space<hbm>> -> memref<1x128xi32, #tpu.memory_space<hbm>>
          %dma_wait3A_432 = tpu.memref_slice %run_scoped3A_7[%rem3A_425] : memref<2x!tpu.dma_semaphore, #tpu.memory_space<semaphore_mem>> -> memref<1x!tpu.dma_semaphore, #tpu.memory_space<semaphore_mem>>
          %dma_wait3A_433 = tpu.memref_squeeze %dma_wait3A_432 : memref<1x!tpu.dma_semaphore, #tpu.memory_space<semaphore_mem>> -> memref<!tpu.dma_semaphore, #tpu.memory_space<semaphore_mem>>
          %dma_wait3A_434 = arith.constant 0 : i32
          %dma_wait3A_435 = arith.constant 0 : i32
          %dma_wait3A_436 = tpu.memref_slice %run_scoped3A[%rem3A_425, %dma_wait3A_434, %dma_wait3A_435] : memref<2x1x128xi32, #tpu.memory_space<vmem>> -> memref<1x1x128xi32, #tpu.memory_space<vmem>>
          %dma_wait3A_437 = tpu.memref_squeeze %dma_wait3A_436 : memref<1x1x128xi32, #tpu.memory_space<vmem>> -> memref<1x128xi32, #tpu.memory_space<vmem>>
          %dma_wait3A_438 = arith.constant 0 : i32
          %dma_wait3A_439 = tpu.memref_slice %arg4[%dma_wait3A_438, %mul3A_423] : memref<1x327680xi32, #tpu.memory_space<hbm>> -> memref<1x128xi32, #tpu.memory_space<hbm>>
          tpu.wait_dma2 semaphore(%dma_wait3A_433 : memref<!tpu.dma_semaphore, #tpu.memory_space<semaphore_mem>>) src(%dma_wait3A_439 : memref<1x128xi32, #tpu.memory_space<hbm>>) dst(%dma_wait3A_437 : memref<1x128xi32, #tpu.memory_space<vmem>>)
          "tpu.trace_stop"() : () -> ()
        } else {
        }
        %ne3A_265 = arith.cmpi ne, %add3A_185, %add3A_194 : i32
        %or3A_266 = arith.constant false
        %or3A_267 = arith.ori %or3A_266, %ne3A_265 : i1
        %or3A_268 = arith.ori %or3A_267, %eq3A_182 : i1
        %convert_element_type3A_269 = arith.extui %or3A_268 : i1 to i32
        %cond3A_270 = arith.constant 0 : i32
        %cond3A_271 = arith.cmpi ne, %convert_element_type3A_269, %cond3A_270 : i32
        scf.if %cond3A_271 {
          "tpu.trace_start"() <{level = 10 : i32, message = "ep_wait_in"}> : () -> ()
          %mul3A_422 = arith.constant 128 : i32
          %mul3A_423 = arith.muli %mul3A_422, %add3A_185 : i32
          %rem3A_424 = arith.constant 2 : i32
          %rem3A_425 = arith.remui %scan3A_175, %rem3A_424 : i32
          %dma_wait3A_426 = arith.constant 0 : i32
          %dma_wait3A_427 = arith.constant 0 : i32
          %dma_wait3A_428 = tpu.memref_slice %run_scoped3A_8[%rem3A_425, %dma_wait3A_426, %dma_wait3A_427] : memref<2x1x128xi32, #tpu.memory_space<vmem>> -> memref<1x1x128xi32, #tpu.memory_space<vmem>>
          %dma_wait3A_429 = tpu.memref_squeeze %dma_wait3A_428 : memref<1x1x128xi32, #tpu.memory_space<vmem>> -> memref<1x128xi32, #tpu.memory_space<vmem>>
          %dma_wait3A_430 = arith.constant 0 : i32
          %dma_wait3A_431 = tpu.memref_slice %arg5[%dma_wait3A_430, %mul3A_423] : memref<1x327680xi32, #tpu.memory_space<hbm>> -> memref<1x128xi32, #tpu.memory_space<hbm>>
          %dma_wait3A_432 = tpu.memref_slice %run_scoped3A_9[%rem3A_425] : memref<2x!tpu.dma_semaphore, #tpu.memory_space<semaphore_mem>> -> memref<1x!tpu.dma_semaphore, #tpu.memory_space<semaphore_mem>>
          %dma_wait3A_433 = tpu.memref_squeeze %dma_wait3A_432 : memref<1x!tpu.dma_semaphore, #tpu.memory_space<semaphore_mem>> -> memref<!tpu.dma_semaphore, #tpu.memory_space<semaphore_mem>>
          %dma_wait3A_434 = arith.constant 0 : i32
          %dma_wait3A_435 = arith.constant 0 : i32
          %dma_wait3A_436 = tpu.memref_slice %run_scoped3A_8[%rem3A_425, %dma_wait3A_434, %dma_wait3A_435] : memref<2x1x128xi32, #tpu.memory_space<vmem>> -> memref<1x1x128xi32, #tpu.memory_space<vmem>>
          %dma_wait3A_437 = tpu.memref_squeeze %dma_wait3A_436 : memref<1x1x128xi32, #tpu.memory_space<vmem>> -> memref<1x128xi32, #tpu.memory_space<vmem>>
          %dma_wait3A_438 = arith.constant 0 : i32
          %dma_wait3A_439 = tpu.memref_slice %arg5[%dma_wait3A_438, %mul3A_423] : memref<1x327680xi32, #tpu.memory_space<hbm>> -> memref<1x128xi32, #tpu.memory_space<hbm>>
          tpu.wait_dma2 semaphore(%dma_wait3A_433 : memref<!tpu.dma_semaphore, #tpu.memory_space<semaphore_mem>>) src(%dma_wait3A_439 : memref<1x128xi32, #tpu.memory_space<hbm>>) dst(%dma_wait3A_437 : memref<1x128xi32, #tpu.memory_space<vmem>>)
          "tpu.trace_stop"() : () -> ()
        } else {
        }
        %ne3A_272 = arith.cmpi ne, %add3A_185, %add3A_194 : i32
        %or3A_273 = arith.constant false
        %or3A_274 = arith.ori %or3A_273, %ne3A_272 : i1
        %or3A_275 = arith.constant false
        %or3A_276 = arith.ori %or3A_274, %or3A_275 : i1
        %or3A_277 = arith.ori %or3A_276, %eq3A_182 : i1
        %convert_element_type3A_278 = arith.extui %or3A_277 : i1 to i32
        %cond3A_279 = arith.constant 0 : i32
        %cond3A_280 = arith.cmpi ne, %convert_element_type3A_278, %cond3A_279 : i32
        scf.if %cond3A_280 {
        } else {
        }
        %ne3A_281 = arith.cmpi ne, %add3A_185, %add3A_194 : i32
        %or3A_282 = arith.constant false
        %or3A_283 = arith.ori %or3A_282, %ne3A_281 : i1
        %or3A_284 = arith.constant false
        %or3A_285 = arith.ori %or3A_283, %or3A_284 : i1
        %or3A_286 = arith.ori %or3A_285, %eq3A_182 : i1
        %convert_element_type3A_287 = arith.extui %or3A_286 : i1 to i32
        %cond3A_288 = arith.constant 0 : i32
        %cond3A_289 = arith.cmpi ne, %convert_element_type3A_287, %cond3A_288 : i32
        scf.if %cond3A_289 {
        } else {
        }
        %rem3A_290 = arith.constant 2 : i32
        %rem3A_291 = arith.remui %scan3A_173, %rem3A_290 : i32
        %rem3A_292 = arith.constant 2 : i32
        %rem3A_293 = arith.remui %scan3A_175, %rem3A_292 : i32
        %rem3A_294 = arith.constant 2 : i32
        %rem3A_295 = arith.remui %scan3A_176, %rem3A_294 : i32
        %rem3A_296 = arith.constant 2 : i32
        %rem3A_297 = arith.remui %scan3A_178, %rem3A_296 : i32
        %run_scoped3A_298 = arith.constant 0 : i32
        "tpu.trace_start"() <{level = 10 : i32, message = "ep_run_kernel"}> : () -> ()
        "tpu.region"() ({
          %run_scoped3A_422 = tpu.sem_alloc : memref<!tpu.dma_semaphore, #tpu.memory_space<semaphore_mem>>
          %dma_start3A_423 = arith.constant 0 : i32
          %dma_start3A_424 = arith.constant 0 : i32
          %dma_start3A_425 = tpu.memref_slice %run_scoped3A_10[%rem3A_295, %dma_start3A_423, %dma_start3A_424] : memref<2x128x128xf32, #tpu.memory_space<vmem>> -> memref<1x128x128xf32, #tpu.memory_space<vmem>>
          %dma_start3A_426 = tpu.memref_squeeze %dma_start3A_425 : memref<1x128x128xf32, #tpu.memory_space<vmem>> -> memref<128x128xf32, #tpu.memory_space<vmem>>
          %dma_start3A_427 = arith.constant 0 : i32
          %dma_start3A_428 = arith.constant 0 : i32
          %dma_start3A_429 = tpu.memref_slice %run_scoped3A[%rem3A_291, %dma_start3A_427, %dma_start3A_428] : memref<2x1x128xi32, #tpu.memory_space<vmem>> -> memref<1x1x128xi32, #tpu.memory_space<vmem>>
          %dma_start3A_430 = tpu.memref_squeeze %dma_start3A_429 : memref<1x1x128xi32, #tpu.memory_space<vmem>> -> memref<1x128xi32, #tpu.memory_space<vmem>>
          %dma_start3A_431 = arith.constant 0 : i32
          %dma_start3A_432 = tpu.memref_slice %dma_start3A_430[%run_scoped3A_298, %dma_start3A_431] : memref<1x128xi32, #tpu.memory_space<vmem>> -> memref<1x128xi32, #tpu.memory_space<vmem>>
          %dma_start3A_433 = tpu.memref_squeeze %dma_start3A_432 : memref<1x128xi32, #tpu.memory_space<vmem>> -> memref<128xi32, #tpu.memory_space<vmem>>
          %dma_start3A_434 = arith.constant 0 : i32
          %dma_start3A_435 = arith.constant 0 : i32
          %dma_start3A_436 = tpu.memref_slice %arg2[%dma_start3A_434, %dma_start3A_435] : memref<10000x128xf32, #tpu.memory_space<hbm>> -> memref<10000x128xf32, #tpu.memory_space<hbm>>
          tpu.enqueue_indirect_dma source(%dma_start3A_436 : memref<10000x128xf32, #tpu.memory_space<hbm>>) target(%dma_start3A_426 : memref<128x128xf32, #tpu.memory_space<vmem>>) offsets(%dma_start3A_433 : memref<128xi32, #tpu.memory_space<vmem>>) semaphore(%run_scoped3A_422 : memref<!tpu.dma_semaphore, #tpu.memory_space<semaphore_mem>>)
          %dma_wait3A_437 = arith.constant 0 : i32
          %dma_wait3A_438 = arith.constant 0 : i32
          %dma_wait3A_439 = tpu.memref_slice %run_scoped3A_10[%rem3A_295, %dma_wait3A_437, %dma_wait3A_438] : memref<2x128x128xf32, #tpu.memory_space<vmem>> -> memref<1x128x128xf32, #tpu.memory_space<vmem>>
          %dma_wait3A_440 = tpu.memref_squeeze %dma_wait3A_439 : memref<1x128x128xf32, #tpu.memory_space<vmem>> -> memref<128x128xf32, #tpu.memory_space<vmem>>
          %dma_wait3A_441 = arith.constant 0 : i32
          %dma_wait3A_442 = arith.constant 0 : i32
          %dma_wait3A_443 = tpu.memref_slice %run_scoped3A[%rem3A_291, %dma_wait3A_441, %dma_wait3A_442] : memref<2x1x128xi32, #tpu.memory_space<vmem>> -> memref<1x1x128xi32, #tpu.memory_space<vmem>>
          %dma_wait3A_444 = tpu.memref_squeeze %dma_wait3A_443 : memref<1x1x128xi32, #tpu.memory_space<vmem>> -> memref<1x128xi32, #tpu.memory_space<vmem>>
          %dma_wait3A_445 = arith.constant 0 : i32
          %dma_wait3A_446 = tpu.memref_slice %dma_wait3A_444[%run_scoped3A_298, %dma_wait3A_445] : memref<1x128xi32, #tpu.memory_space<vmem>> -> memref<1x128xi32, #tpu.memory_space<vmem>>
          %dma_wait3A_447 = tpu.memref_squeeze %dma_wait3A_446 : memref<1x128xi32, #tpu.memory_space<vmem>> -> memref<128xi32, #tpu.memory_space<vmem>>
          %dma_wait3A_448 = arith.constant 0 : i32
          %dma_wait3A_449 = arith.constant 0 : i32
          %dma_wait3A_450 = tpu.memref_slice %arg2[%dma_wait3A_448, %dma_wait3A_449] : memref<10000x128xf32, #tpu.memory_space<hbm>> -> memref<10000x128xf32, #tpu.memory_space<hbm>>
          tpu.wait_indirect_dma semaphore(%run_scoped3A_422 : memref<!tpu.dma_semaphore, #tpu.memory_space<semaphore_mem>>) src(%dma_wait3A_450 : memref<10000x128xf32, #tpu.memory_space<hbm>>) dst(%dma_wait3A_440 : memref<128x128xf32, #tpu.memory_space<vmem>>)
          tpu.yield
        }) : () -> ()
        %run_scoped3A_299 = arith.constant 0 : i32
        "tpu.region"() ({
          %run_scoped3A_422 = tpu.sem_alloc : memref<!tpu.dma_semaphore, #tpu.memory_space<semaphore_mem>>
          %dma_start3A_423 = arith.constant 0 : i32
          %dma_start3A_424 = arith.constant 0 : i32
          %dma_start3A_425 = tpu.memref_slice %run_scoped3A_12[%rem3A_297, %dma_start3A_423, %dma_start3A_424] : memref<2x128x128xf32, #tpu.memory_space<vmem>> -> memref<1x128x128xf32, #tpu.memory_space<vmem>>
          %dma_start3A_426 = tpu.memref_squeeze %dma_start3A_425 : memref<1x128x128xf32, #tpu.memory_space<vmem>> -> memref<128x128xf32, #tpu.memory_space<vmem>>
          %dma_start3A_427 = arith.constant 0 : i32
          %dma_start3A_428 = arith.constant 0 : i32
          %dma_start3A_429 = tpu.memref_slice %run_scoped3A_8[%rem3A_293, %dma_start3A_427, %dma_start3A_428] : memref<2x1x128xi32, #tpu.memory_space<vmem>> -> memref<1x1x128xi32, #tpu.memory_space<vmem>>
          %dma_start3A_430 = tpu.memref_squeeze %dma_start3A_429 : memref<1x1x128xi32, #tpu.memory_space<vmem>> -> memref<1x128xi32, #tpu.memory_space<vmem>>
          %dma_start3A_431 = arith.constant 0 : i32
          %dma_start3A_432 = tpu.memref_slice %dma_start3A_430[%run_scoped3A_299, %dma_start3A_431] : memref<1x128xi32, #tpu.memory_space<vmem>> -> memref<1x128xi32, #tpu.memory_space<vmem>>
          %dma_start3A_433 = tpu.memref_squeeze %dma_start3A_432 : memref<1x128xi32, #tpu.memory_space<vmem>> -> memref<128xi32, #tpu.memory_space<vmem>>
          %dma_start3A_434 = arith.constant 0 : i32
          %dma_start3A_435 = arith.constant 0 : i32
          %dma_start3A_436 = tpu.memref_slice %arg3[%dma_start3A_434, %dma_start3A_435] : memref<10000x128xf32, #tpu.memory_space<hbm>> -> memref<10000x128xf32, #tpu.memory_space<hbm>>
          tpu.enqueue_indirect_dma source(%dma_start3A_436 : memref<10000x128xf32, #tpu.memory_space<hbm>>) target(%dma_start3A_426 : memref<128x128xf32, #tpu.memory_space<vmem>>) offsets(%dma_start3A_433 : memref<128xi32, #tpu.memory_space<vmem>>) semaphore(%run_scoped3A_422 : memref<!tpu.dma_semaphore, #tpu.memory_space<semaphore_mem>>)
          %dma_wait3A_437 = arith.constant 0 : i32
          %dma_wait3A_438 = arith.constant 0 : i32
          %dma_wait3A_439 = tpu.memref_slice %run_scoped3A_12[%rem3A_297, %dma_wait3A_437, %dma_wait3A_438] : memref<2x128x128xf32, #tpu.memory_space<vmem>> -> memref<1x128x128xf32, #tpu.memory_space<vmem>>
          %dma_wait3A_440 = tpu.memref_squeeze %dma_wait3A_439 : memref<1x128x128xf32, #tpu.memory_space<vmem>> -> memref<128x128xf32, #tpu.memory_space<vmem>>
          %dma_wait3A_441 = arith.constant 0 : i32
          %dma_wait3A_442 = arith.constant 0 : i32
          %dma_wait3A_443 = tpu.memref_slice %run_scoped3A_8[%rem3A_293, %dma_wait3A_441, %dma_wait3A_442] : memref<2x1x128xi32, #tpu.memory_space<vmem>> -> memref<1x1x128xi32, #tpu.memory_space<vmem>>
          %dma_wait3A_444 = tpu.memref_squeeze %dma_wait3A_443 : memref<1x1x128xi32, #tpu.memory_space<vmem>> -> memref<1x128xi32, #tpu.memory_space<vmem>>
          %dma_wait3A_445 = arith.constant 0 : i32
          %dma_wait3A_446 = tpu.memref_slice %dma_wait3A_444[%run_scoped3A_299, %dma_wait3A_445] : memref<1x128xi32, #tpu.memory_space<vmem>> -> memref<1x128xi32, #tpu.memory_space<vmem>>
          %dma_wait3A_447 = tpu.memref_squeeze %dma_wait3A_446 : memref<1x128xi32, #tpu.memory_space<vmem>> -> memref<128xi32, #tpu.memory_space<vmem>>
          %dma_wait3A_448 = arith.constant 0 : i32
          %dma_wait3A_449 = arith.constant 0 : i32
          %dma_wait3A_450 = tpu.memref_slice %arg3[%dma_wait3A_448, %dma_wait3A_449] : memref<10000x128xf32, #tpu.memory_space<hbm>> -> memref<10000x128xf32, #tpu.memory_space<hbm>>
          tpu.wait_indirect_dma semaphore(%run_scoped3A_422 : memref<!tpu.dma_semaphore, #tpu.memory_space<semaphore_mem>>) src(%dma_wait3A_450 : memref<10000x128xf32, #tpu.memory_space<hbm>>) dst(%dma_wait3A_440 : memref<128x128xf32, #tpu.memory_space<vmem>>)
          tpu.yield
        }) : () -> ()
        "tpu.trace_stop"() : () -> ()
        %ne3A_300 = arith.cmpi ne, %add3A_185, %add3A_203 : i32
        %or3A_301 = arith.constant false
        %or3A_302 = arith.ori %or3A_301, %ne3A_300 : i1
        %or3A_303 = arith.ori %or3A_302, %eq3A_184 : i1
        %convert_element_type3A_304 = arith.extui %or3A_303 : i1 to i32
        %cond3A_305 = arith.constant 0 : i32
        %cond3A_306 = arith.cmpi ne, %convert_element_type3A_304, %cond3A_305 : i32
        scf.if %cond3A_306 {
        } else {
        }
        %and3A_307 = arith.constant false
        %and3A_308 = arith.andi %or3A_303, %and3A_307 : i1
        %ne3A_309 = arith.cmpi ne, %add3A_185, %add3A_203 : i32
        %or3A_310 = arith.constant false
        %or3A_311 = arith.ori %or3A_310, %ne3A_309 : i1
        %or3A_312 = arith.ori %or3A_311, %eq3A_184 : i1
        %convert_element_type3A_313 = arith.extui %or3A_312 : i1 to i32
        %cond3A_314 = arith.constant 0 : i32
        %cond3A_315 = arith.cmpi ne, %convert_element_type3A_313, %cond3A_314 : i32
        scf.if %cond3A_315 {
        } else {
        }
        %and3A_316 = arith.constant false
        %and3A_317 = arith.andi %or3A_312, %and3A_316 : i1
        %ne3A_318 = arith.cmpi ne, %add3A_185, %add3A_203 : i32
        %or3A_319 = arith.constant false
        %or3A_320 = arith.ori %or3A_319, %ne3A_318 : i1
        %or3A_321 = arith.constant false
        %or3A_322 = arith.ori %or3A_320, %or3A_321 : i1
        %or3A_323 = arith.ori %or3A_322, %eq3A_184 : i1
        %convert_element_type3A_324 = arith.extui %or3A_323 : i1 to i32
        %cond3A_325 = arith.constant 0 : i32
        %cond3A_326 = arith.cmpi ne, %convert_element_type3A_324, %cond3A_325 : i32
        scf.if %cond3A_326 {
          "tpu.trace_start"() <{level = 10 : i32, message = "ep_copy_out"}> : () -> ()
          %rem3A_422 = arith.constant 2 : i32
          %rem3A_423 = arith.remui %scan3A_176, %rem3A_422 : i32
          %mul3A_424 = arith.constant 128 : i32
          %mul3A_425 = arith.muli %mul3A_424, %add3A_185 : i32
          %dma_start3A_426 = arith.constant 0 : i32
          %dma_start3A_427 = arith.constant 0 : i32
          %dma_start3A_428 = tpu.memref_slice %run_scoped3A_10[%rem3A_423, %dma_start3A_426, %dma_start3A_427] : memref<2x128x128xf32, #tpu.memory_space<vmem>> -> memref<1x128x128xf32, #tpu.memory_space<vmem>>
          %dma_start3A_429 = tpu.memref_squeeze %dma_start3A_428 : memref<1x128x128xf32, #tpu.memory_space<vmem>> -> memref<128x128xf32, #tpu.memory_space<vmem>>
          %dma_start3A_430 = arith.constant 0 : i32
          %dma_start3A_431 = tpu.memref_slice %arg6[%mul3A_425, %dma_start3A_430] : memref<327680x128xf32, #tpu.memory_space<hbm>> -> memref<128x128xf32, #tpu.memory_space<hbm>>
          %dma_start3A_432 = tpu.memref_slice %run_scoped3A_11[%rem3A_423] : memref<2x!tpu.dma_semaphore, #tpu.memory_space<semaphore_mem>> -> memref<1x!tpu.dma_semaphore, #tpu.memory_space<semaphore_mem>>
          %dma_start3A_433 = tpu.memref_squeeze %dma_start3A_432 : memref<1x!tpu.dma_semaphore, #tpu.memory_space<semaphore_mem>> -> memref<!tpu.dma_semaphore, #tpu.memory_space<semaphore_mem>>
          %dma_start3A_434 = arith.constant 0 : i32
          %dma_start3A_435 = tpu.memref_slice %arg6[%mul3A_425, %dma_start3A_434] : memref<327680x128xf32, #tpu.memory_space<hbm>> -> memref<128x128xf32, #tpu.memory_space<hbm>>
          %dma_start3A_436 = arith.constant 0 : i32
          %dma_start3A_437 = arith.constant 0 : i32
          %dma_start3A_438 = tpu.memref_slice %run_scoped3A_10[%rem3A_423, %dma_start3A_436, %dma_start3A_437] : memref<2x128x128xf32, #tpu.memory_space<vmem>> -> memref<1x128x128xf32, #tpu.memory_space<vmem>>
          %dma_start3A_439 = tpu.memref_squeeze %dma_start3A_438 : memref<1x128x128xf32, #tpu.memory_space<vmem>> -> memref<128x128xf32, #tpu.memory_space<vmem>>
          tpu.enqueue_dma source(%dma_start3A_439 : memref<128x128xf32, #tpu.memory_space<vmem>>) target(%dma_start3A_435 : memref<128x128xf32, #tpu.memory_space<hbm>>) target_semaphore(%dma_start3A_433 : memref<!tpu.dma_semaphore, #tpu.memory_space<semaphore_mem>>)
          "tpu.trace_stop"() : () -> ()
        } else {
        }
        %and3A_327 = arith.constant true
        %and3A_328 = arith.andi %or3A_323, %and3A_327 : i1
        %add3A_329 = arith.constant 1 : i32
        %add3A_330 = arith.addi %scan3A_176, %add3A_329 : i32
        %select_n3A_331 = arith.select %and3A_328, %add3A_330, %scan3A_176 : i32
        %ne3A_332 = arith.cmpi ne, %add3A_185, %add3A_203 : i32
        %or3A_333 = arith.constant false
        %or3A_334 = arith.ori %or3A_333, %ne3A_332 : i1
        %or3A_335 = arith.constant false
        %or3A_336 = arith.ori %or3A_334, %or3A_335 : i1
        %or3A_337 = arith.ori %or3A_336, %eq3A_184 : i1
        %convert_element_type3A_338 = arith.extui %or3A_337 : i1 to i32
        %cond3A_339 = arith.constant 0 : i32
        %cond3A_340 = arith.cmpi ne, %convert_element_type3A_338, %cond3A_339 : i32
        scf.if %cond3A_340 {
          "tpu.trace_start"() <{level = 10 : i32, message = "ep_copy_out"}> : () -> ()
          %rem3A_422 = arith.constant 2 : i32
          %rem3A_423 = arith.remui %scan3A_178, %rem3A_422 : i32
          %mul3A_424 = arith.constant 128 : i32
          %mul3A_425 = arith.muli %mul3A_424, %add3A_185 : i32
          %dma_start3A_426 = arith.constant 0 : i32
          %dma_start3A_427 = arith.constant 0 : i32
          %dma_start3A_428 = tpu.memref_slice %run_scoped3A_12[%rem3A_423, %dma_start3A_426, %dma_start3A_427] : memref<2x128x128xf32, #tpu.memory_space<vmem>> -> memref<1x128x128xf32, #tpu.memory_space<vmem>>
          %dma_start3A_429 = tpu.memref_squeeze %dma_start3A_428 : memref<1x128x128xf32, #tpu.memory_space<vmem>> -> memref<128x128xf32, #tpu.memory_space<vmem>>
          %dma_start3A_430 = arith.constant 0 : i32
          %dma_start3A_431 = tpu.memref_slice %arg7[%mul3A_425, %dma_start3A_430] : memref<327680x128xf32, #tpu.memory_space<hbm>> -> memref<128x128xf32, #tpu.memory_space<hbm>>
          %dma_start3A_432 = tpu.memref_slice %run_scoped3A_13[%rem3A_423] : memref<2x!tpu.dma_semaphore, #tpu.memory_space<semaphore_mem>> -> memref<1x!tpu.dma_semaphore, #tpu.memory_space<semaphore_mem>>
          %dma_start3A_433 = tpu.memref_squeeze %dma_start3A_432 : memref<1x!tpu.dma_semaphore, #tpu.memory_space<semaphore_mem>> -> memref<!tpu.dma_semaphore, #tpu.memory_space<semaphore_mem>>
          %dma_start3A_434 = arith.constant 0 : i32
          %dma_start3A_435 = tpu.memref_slice %arg7[%mul3A_425, %dma_start3A_434] : memref<327680x128xf32, #tpu.memory_space<hbm>> -> memref<128x128xf32, #tpu.memory_space<hbm>>
          %dma_start3A_436 = arith.constant 0 : i32
          %dma_start3A_437 = arith.constant 0 : i32
          %dma_start3A_438 = tpu.memref_slice %run_scoped3A_12[%rem3A_423, %dma_start3A_436, %dma_start3A_437] : memref<2x128x128xf32, #tpu.memory_space<vmem>> -> memref<1x128x128xf32, #tpu.memory_space<vmem>>
          %dma_start3A_439 = tpu.memref_squeeze %dma_start3A_438 : memref<1x128x128xf32, #tpu.memory_space<vmem>> -> memref<128x128xf32, #tpu.memory_space<vmem>>
          tpu.enqueue_dma source(%dma_start3A_439 : memref<128x128xf32, #tpu.memory_space<vmem>>) target(%dma_start3A_435 : memref<128x128xf32, #tpu.memory_space<hbm>>) target_semaphore(%dma_start3A_433 : memref<!tpu.dma_semaphore, #tpu.memory_space<semaphore_mem>>)
          "tpu.trace_stop"() : () -> ()
        } else {
        }
        %and3A_341 = arith.constant true
        %and3A_342 = arith.andi %or3A_337, %and3A_341 : i1
        %add3A_343 = arith.constant 1 : i32
        %add3A_344 = arith.addi %scan3A_178, %add3A_343 : i32
        %select_n3A_345 = arith.select %and3A_342, %add3A_344, %scan3A_178 : i32
        %ne3A_346 = arith.cmpi ne, %add3A_185, %add3A_194 : i32
        %or3A_347 = arith.constant false
        %or3A_348 = arith.ori %or3A_347, %ne3A_346 : i1
        %not3A_349 = arith.constant true
        %not3A_350 = arith.xori %eq3A_182, %not3A_349 : i1
        %and3A_351 = arith.andi %or3A_348, %not3A_350 : i1
        %convert_element_type3A_352 = arith.extui %and3A_351 : i1 to i32
        %cond3A_353 = arith.constant 0 : i32
        %cond3A_354 = arith.cmpi ne, %convert_element_type3A_352, %cond3A_353 : i32
        scf.if %cond3A_354 {
        } else {
        }
        %and3A_355 = arith.constant false
        %and3A_356 = arith.andi %and3A_351, %and3A_355 : i1
        %ne3A_357 = arith.cmpi ne, %add3A_185, %add3A_194 : i32
        %or3A_358 = arith.constant false
        %or3A_359 = arith.ori %or3A_358, %ne3A_357 : i1
        %not3A_360 = arith.constant true
        %not3A_361 = arith.xori %eq3A_182, %not3A_360 : i1
        %and3A_362 = arith.andi %or3A_359, %not3A_361 : i1
        %convert_element_type3A_363 = arith.extui %and3A_362 : i1 to i32
        %cond3A_364 = arith.constant 0 : i32
        %cond3A_365 = arith.cmpi ne, %convert_element_type3A_363, %cond3A_364 : i32
        scf.if %cond3A_365 {
        } else {
        }
        %and3A_366 = arith.constant false
        %and3A_367 = arith.andi %and3A_362, %and3A_366 : i1
        %ne3A_368 = arith.cmpi ne, %add3A_185, %add3A_194 : i32
        %or3A_369 = arith.constant false
        %or3A_370 = arith.ori %or3A_369, %ne3A_368 : i1
        %or3A_371 = arith.constant false
        %or3A_372 = arith.ori %or3A_370, %or3A_371 : i1
        %not3A_373 = arith.constant true
        %not3A_374 = arith.xori %eq3A_182, %not3A_373 : i1
        %and3A_375 = arith.andi %or3A_372, %not3A_374 : i1
        %convert_element_type3A_376 = arith.extui %and3A_375 : i1 to i32
        %cond3A_377 = arith.constant 0 : i32
        %cond3A_378 = arith.cmpi ne, %convert_element_type3A_376, %cond3A_377 : i32
        scf.if %cond3A_378 {
          "tpu.trace_start"() <{level = 10 : i32, message = "ep_wait_out"}> : () -> ()
          %rem3A_422 = arith.constant 2 : i32
          %rem3A_423 = arith.remui %scan3A_177, %rem3A_422 : i32
          %mul3A_424 = arith.constant 128 : i32
          %mul3A_425 = arith.muli %mul3A_424, %add3A_194 : i32
          %dma_wait3A_426 = arith.constant 0 : i32
          %dma_wait3A_427 = arith.constant 0 : i32
          %dma_wait3A_428 = tpu.memref_slice %run_scoped3A_10[%rem3A_423, %dma_wait3A_426, %dma_wait3A_427] : memref<2x128x128xf32, #tpu.memory_space<vmem>> -> memref<1x128x128xf32, #tpu.memory_space<vmem>>
          %dma_wait3A_429 = tpu.memref_squeeze %dma_wait3A_428 : memref<1x128x128xf32, #tpu.memory_space<vmem>> -> memref<128x128xf32, #tpu.memory_space<vmem>>
          %dma_wait3A_430 = arith.constant 0 : i32
          %dma_wait3A_431 = tpu.memref_slice %arg6[%mul3A_425, %dma_wait3A_430] : memref<327680x128xf32, #tpu.memory_space<hbm>> -> memref<128x128xf32, #tpu.memory_space<hbm>>
          %dma_wait3A_432 = tpu.memref_slice %run_scoped3A_11[%rem3A_423] : memref<2x!tpu.dma_semaphore, #tpu.memory_space<semaphore_mem>> -> memref<1x!tpu.dma_semaphore, #tpu.memory_space<semaphore_mem>>
          %dma_wait3A_433 = tpu.memref_squeeze %dma_wait3A_432 : memref<1x!tpu.dma_semaphore, #tpu.memory_space<semaphore_mem>> -> memref<!tpu.dma_semaphore, #tpu.memory_space<semaphore_mem>>
          %dma_wait3A_434 = arith.constant 0 : i32
          %dma_wait3A_435 = tpu.memref_slice %arg6[%mul3A_425, %dma_wait3A_434] : memref<327680x128xf32, #tpu.memory_space<hbm>> -> memref<128x128xf32, #tpu.memory_space<hbm>>
          %dma_wait3A_436 = arith.constant 0 : i32
          %dma_wait3A_437 = arith.constant 0 : i32
          %dma_wait3A_438 = tpu.memref_slice %run_scoped3A_10[%rem3A_423, %dma_wait3A_436, %dma_wait3A_437] : memref<2x128x128xf32, #tpu.memory_space<vmem>> -> memref<1x128x128xf32, #tpu.memory_space<vmem>>
          %dma_wait3A_439 = tpu.memref_squeeze %dma_wait3A_438 : memref<1x128x128xf32, #tpu.memory_space<vmem>> -> memref<128x128xf32, #tpu.memory_space<vmem>>
          tpu.wait_dma2 semaphore(%dma_wait3A_433 : memref<!tpu.dma_semaphore, #tpu.memory_space<semaphore_mem>>) src(%dma_wait3A_439 : memref<128x128xf32, #tpu.memory_space<vmem>>) dst(%dma_wait3A_435 : memref<128x128xf32, #tpu.memory_space<hbm>>)
          "tpu.trace_stop"() : () -> ()
        } else {
        }
        %and3A_379 = arith.constant true
        %and3A_380 = arith.andi %and3A_375, %and3A_379 : i1
        %add3A_381 = arith.constant 1 : i32
        %add3A_382 = arith.addi %scan3A_177, %add3A_381 : i32
        %select_n3A_383 = arith.select %and3A_380, %add3A_382, %scan3A_177 : i32
        %ne3A_384 = arith.cmpi ne, %add3A_185, %add3A_194 : i32
        %or3A_385 = arith.constant false
        %or3A_386 = arith.ori %or3A_385, %ne3A_384 : i1
        %or3A_387 = arith.constant false
        %or3A_388 = arith.ori %or3A_386, %or3A_387 : i1
        %not3A_389 = arith.constant true
        %not3A_390 = arith.xori %eq3A_182, %not3A_389 : i1
        %and3A_391 = arith.andi %or3A_388, %not3A_390 : i1
        %convert_element_type3A_392 = arith.extui %and3A_391 : i1 to i32
        %cond3A_393 = arith.constant 0 : i32
        %cond3A_394 = arith.cmpi ne, %convert_element_type3A_392, %cond3A_393 : i32
        scf.if %cond3A_394 {
          "tpu.trace_start"() <{level = 10 : i32, message = "ep_wait_out"}> : () -> ()
          %rem3A_422 = arith.constant 2 : i32
          %rem3A_423 = arith.remui %scan3A_179, %rem3A_422 : i32
          %mul3A_424 = arith.constant 128 : i32
          %mul3A_425 = arith.muli %mul3A_424, %add3A_194 : i32
          %dma_wait3A_426 = arith.constant 0 : i32
          %dma_wait3A_427 = arith.constant 0 : i32
          %dma_wait3A_428 = tpu.memref_slice %run_scoped3A_12[%rem3A_423, %dma_wait3A_426, %dma_wait3A_427] : memref<2x128x128xf32, #tpu.memory_space<vmem>> -> memref<1x128x128xf32, #tpu.memory_space<vmem>>
          %dma_wait3A_429 = tpu.memref_squeeze %dma_wait3A_428 : memref<1x128x128xf32, #tpu.memory_space<vmem>> -> memref<128x128xf32, #tpu.memory_space<vmem>>
          %dma_wait3A_430 = arith.constant 0 : i32
          %dma_wait3A_431 = tpu.memref_slice %arg7[%mul3A_425, %dma_wait3A_430] : memref<327680x128xf32, #tpu.memory_space<hbm>> -> memref<128x128xf32, #tpu.memory_space<hbm>>
          %dma_wait3A_432 = tpu.memref_slice %run_scoped3A_13[%rem3A_423] : memref<2x!tpu.dma_semaphore, #tpu.memory_space<semaphore_mem>> -> memref<1x!tpu.dma_semaphore, #tpu.memory_space<semaphore_mem>>
          %dma_wait3A_433 = tpu.memref_squeeze %dma_wait3A_432 : memref<1x!tpu.dma_semaphore, #tpu.memory_space<semaphore_mem>> -> memref<!tpu.dma_semaphore, #tpu.memory_space<semaphore_mem>>
          %dma_wait3A_434 = arith.constant 0 : i32
          %dma_wait3A_435 = tpu.memref_slice %arg7[%mul3A_425, %dma_wait3A_434] : memref<327680x128xf32, #tpu.memory_space<hbm>> -> memref<128x128xf32, #tpu.memory_space<hbm>>
          %dma_wait3A_436 = arith.constant 0 : i32
          %dma_wait3A_437 = arith.constant 0 : i32
          %dma_wait3A_438 = tpu.memref_slice %run_scoped3A_12[%rem3A_423, %dma_wait3A_436, %dma_wait3A_437] : memref<2x128x128xf32, #tpu.memory_space<vmem>> -> memref<1x128x128xf32, #tpu.memory_space<vmem>>
          %dma_wait3A_439 = tpu.memref_squeeze %dma_wait3A_438 : memref<1x128x128xf32, #tpu.memory_space<vmem>> -> memref<128x128xf32, #tpu.memory_space<vmem>>
          tpu.wait_dma2 semaphore(%dma_wait3A_433 : memref<!tpu.dma_semaphore, #tpu.memory_space<semaphore_mem>>) src(%dma_wait3A_439 : memref<128x128xf32, #tpu.memory_space<vmem>>) dst(%dma_wait3A_435 : memref<128x128xf32, #tpu.memory_space<hbm>>)
          "tpu.trace_stop"() : () -> ()
        } else {
        }
        %and3A_395 = arith.constant true
        %and3A_396 = arith.andi %and3A_391, %and3A_395 : i1
        %add3A_397 = arith.constant 1 : i32
        %add3A_398 = arith.addi %scan3A_179, %add3A_397 : i32
        %select_n3A_399 = arith.select %and3A_396, %add3A_398, %scan3A_179 : i32
        %ne3A_400 = arith.cmpi ne, %add3A_185, %add3A_203 : i32
        %or3A_401 = arith.constant false
        %or3A_402 = arith.ori %or3A_401, %ne3A_400 : i1
        %or3A_403 = arith.ori %or3A_402, %eq3A_184 : i1
        %add3A_404 = arith.constant 1 : i32
        %add3A_405 = arith.addi %scan3A_173, %add3A_404 : i32
        %select_n3A_406 = arith.select %or3A_403, %add3A_405, %scan3A_173 : i32
        %ne3A_407 = arith.cmpi ne, %add3A_185, %add3A_203 : i32
        %or3A_408 = arith.constant false
        %or3A_409 = arith.ori %or3A_408, %ne3A_407 : i1
        %or3A_410 = arith.ori %or3A_409, %eq3A_184 : i1
        %add3A_411 = arith.constant 1 : i32
        %add3A_412 = arith.addi %scan3A_175, %add3A_411 : i32
        %select_n3A_413 = arith.select %or3A_410, %add3A_412, %scan3A_175 : i32
        %add3A_414 = arith.constant 1 : i32
        %add3A_415 = arith.addi %scan3A_180, %add3A_414 : i32
        %select_n3A_416 = arith.constant true
        %select_n3A_417 = arith.select %select_n3A_416, %add3A_415, %scan3A_180 : i32
        %eq3A_418 = arith.constant 80 : i32
        %eq3A_419 = arith.cmpi eq, %select_n3A_417, %eq3A_418 : i32
        %select_n3A_420 = arith.constant 0 : i32
        %select_n3A_421 = arith.select %eq3A_419, %select_n3A_420, %select_n3A_417 : i32
        scf.yield %select_n3A_221, %select_n3A_406, %select_n3A_237, %select_n3A_413, %select_n3A_331, %select_n3A_383, %select_n3A_345, %select_n3A_399, %select_n3A_421 : i32, i32, i32, i32, i32, i32, i32, i32, i32
      }
      %scan3A_100 = arith.constant 80 : i32
      %sub3A = arith.constant 1 : i32
      %sub3A_101 = arith.subi %scan3A_99#8, %sub3A : i32
      %select_n3A_102 = arith.constant true
      %select_n3A_103 = arith.select %select_n3A_102, %sub3A_101, %scan3A_99#8 : i32
      %eq3A_104 = arith.constant -1 : i32
      %eq3A_105 = arith.cmpi eq, %select_n3A_103, %eq3A_104 : i32
      %select_n3A_106 = arith.constant 79 : i32
      %select_n3A_107 = arith.select %eq3A_105, %select_n3A_106, %select_n3A_103 : i32
      %add3A_108 = arith.addi %select_n3A_107, %mul3A_6 : i32
      %sub3A_109 = arith.constant 1 : i32
      %sub3A_110 = arith.subi %select_n3A_107, %sub3A_109 : i32
      %select_n3A_111 = arith.constant true
      %select_n3A_112 = arith.select %select_n3A_111, %sub3A_110, %select_n3A_107 : i32
      %eq3A_113 = arith.constant -1 : i32
      %eq3A_114 = arith.cmpi eq, %select_n3A_112, %eq3A_113 : i32
      %select_n3A_115 = arith.constant 79 : i32
      %select_n3A_116 = arith.select %eq3A_114, %select_n3A_115, %select_n3A_112 : i32
      %add3A_117 = arith.addi %select_n3A_116, %mul3A_6 : i32
      %add3A_118 = arith.constant 1 : i32
      %add3A_119 = arith.addi %select_n3A_107, %add3A_118 : i32
      %select_n3A_120 = arith.constant true
      %select_n3A_121 = arith.select %select_n3A_120, %add3A_119, %select_n3A_107 : i32
      %eq3A_122 = arith.constant 80 : i32
      %eq3A_123 = arith.cmpi eq, %select_n3A_121, %eq3A_122 : i32
      %select_n3A_124 = arith.constant 0 : i32
      %select_n3A_125 = arith.select %eq3A_123, %select_n3A_124, %select_n3A_121 : i32
      %add3A_126 = arith.addi %select_n3A_125, %mul3A_6 : i32
      %add3A_127 = arith.constant 1 : i32
      %add3A_128 = arith.addi %select_n3A_125, %add3A_127 : i32
      %select_n3A_129 = arith.constant true
      %select_n3A_130 = arith.select %select_n3A_129, %add3A_128, %select_n3A_125 : i32
      %eq3A_131 = arith.constant 80 : i32
      %eq3A_132 = arith.cmpi eq, %select_n3A_130, %eq3A_131 : i32
      %select_n3A_133 = arith.constant 0 : i32
      %select_n3A_134 = arith.select %eq3A_132, %select_n3A_133, %select_n3A_130 : i32
      %add3A_135 = arith.addi %select_n3A_134, %mul3A_6 : i32
      "tpu.trace_start"() <{level = 10 : i32, message = "ep_finalize"}> : () -> ()
      %rem3A_136 = arith.constant 2 : i32
      %rem3A_137 = arith.remui %scan3A_99#5, %rem3A_136 : i32
      %mul3A_138 = arith.constant 128 : i32
      %mul3A_139 = arith.muli %mul3A_138, %add3A_108 : i32
      %dma_wait3A = arith.constant 0 : i32
      %dma_wait3A_140 = arith.constant 0 : i32
      %dma_wait3A_141 = tpu.memref_slice %run_scoped3A_10[%rem3A_137, %dma_wait3A, %dma_wait3A_140] : memref<2x128x128xf32, #tpu.memory_space<vmem>> -> memref<1x128x128xf32, #tpu.memory_space<vmem>>
      %dma_wait3A_142 = tpu.memref_squeeze %dma_wait3A_141 : memref<1x128x128xf32, #tpu.memory_space<vmem>> -> memref<128x128xf32, #tpu.memory_space<vmem>>
      %dma_wait3A_143 = arith.constant 0 : i32
      %dma_wait3A_144 = tpu.memref_slice %arg6[%mul3A_139, %dma_wait3A_143] : memref<327680x128xf32, #tpu.memory_space<hbm>> -> memref<128x128xf32, #tpu.memory_space<hbm>>
      %dma_wait3A_145 = tpu.memref_slice %run_scoped3A_11[%rem3A_137] : memref<2x!tpu.dma_semaphore, #tpu.memory_space<semaphore_mem>> -> memref<1x!tpu.dma_semaphore, #tpu.memory_space<semaphore_mem>>
      %dma_wait3A_146 = tpu.memref_squeeze %dma_wait3A_145 : memref<1x!tpu.dma_semaphore, #tpu.memory_space<semaphore_mem>> -> memref<!tpu.dma_semaphore, #tpu.memory_space<semaphore_mem>>
      %dma_wait3A_147 = arith.constant 0 : i32
      %dma_wait3A_148 = tpu.memref_slice %arg6[%mul3A_139, %dma_wait3A_147] : memref<327680x128xf32, #tpu.memory_space<hbm>> -> memref<128x128xf32, #tpu.memory_space<hbm>>
      %dma_wait3A_149 = arith.constant 0 : i32
      %dma_wait3A_150 = arith.constant 0 : i32
      %dma_wait3A_151 = tpu.memref_slice %run_scoped3A_10[%rem3A_137, %dma_wait3A_149, %dma_wait3A_150] : memref<2x128x128xf32, #tpu.memory_space<vmem>> -> memref<1x128x128xf32, #tpu.memory_space<vmem>>
      %dma_wait3A_152 = tpu.memref_squeeze %dma_wait3A_151 : memref<1x128x128xf32, #tpu.memory_space<vmem>> -> memref<128x128xf32, #tpu.memory_space<vmem>>
      tpu.wait_dma2 semaphore(%dma_wait3A_146 : memref<!tpu.dma_semaphore, #tpu.memory_space<semaphore_mem>>) src(%dma_wait3A_152 : memref<128x128xf32, #tpu.memory_space<vmem>>) dst(%dma_wait3A_148 : memref<128x128xf32, #tpu.memory_space<hbm>>)
      %rem3A_153 = arith.constant 2 : i32
      %rem3A_154 = arith.remui %scan3A_99#7, %rem3A_153 : i32
      %mul3A_155 = arith.constant 128 : i32
      %mul3A_156 = arith.muli %mul3A_155, %add3A_108 : i32
      %dma_wait3A_157 = arith.constant 0 : i32
      %dma_wait3A_158 = arith.constant 0 : i32
      %dma_wait3A_159 = tpu.memref_slice %run_scoped3A_12[%rem3A_154, %dma_wait3A_157, %dma_wait3A_158] : memref<2x128x128xf32, #tpu.memory_space<vmem>> -> memref<1x128x128xf32, #tpu.memory_space<vmem>>
      %dma_wait3A_160 = tpu.memref_squeeze %dma_wait3A_159 : memref<1x128x128xf32, #tpu.memory_space<vmem>> -> memref<128x128xf32, #tpu.memory_space<vmem>>
      %dma_wait3A_161 = arith.constant 0 : i32
      %dma_wait3A_162 = tpu.memref_slice %arg7[%mul3A_156, %dma_wait3A_161] : memref<327680x128xf32, #tpu.memory_space<hbm>> -> memref<128x128xf32, #tpu.memory_space<hbm>>
      %dma_wait3A_163 = tpu.memref_slice %run_scoped3A_13[%rem3A_154] : memref<2x!tpu.dma_semaphore, #tpu.memory_space<semaphore_mem>> -> memref<1x!tpu.dma_semaphore, #tpu.memory_space<semaphore_mem>>
      %dma_wait3A_164 = tpu.memref_squeeze %dma_wait3A_163 : memref<1x!tpu.dma_semaphore, #tpu.memory_space<semaphore_mem>> -> memref<!tpu.dma_semaphore, #tpu.memory_space<semaphore_mem>>
      %dma_wait3A_165 = arith.constant 0 : i32
      %dma_wait3A_166 = tpu.memref_slice %arg7[%mul3A_156, %dma_wait3A_165] : memref<327680x128xf32, #tpu.memory_space<hbm>> -> memref<128x128xf32, #tpu.memory_space<hbm>>
      %dma_wait3A_167 = arith.constant 0 : i32
      %dma_wait3A_168 = arith.constant 0 : i32
      %dma_wait3A_169 = tpu.memref_slice %run_scoped3A_12[%rem3A_154, %dma_wait3A_167, %dma_wait3A_168] : memref<2x128x128xf32, #tpu.memory_space<vmem>> -> memref<1x128x128xf32, #tpu.memory_space<vmem>>
      %dma_wait3A_170 = tpu.memref_squeeze %dma_wait3A_169 : memref<1x128x128xf32, #tpu.memory_space<vmem>> -> memref<128x128xf32, #tpu.memory_space<vmem>>
      tpu.wait_dma2 semaphore(%dma_wait3A_164 : memref<!tpu.dma_semaphore, #tpu.memory_space<semaphore_mem>>) src(%dma_wait3A_170 : memref<128x128xf32, #tpu.memory_space<vmem>>) dst(%dma_wait3A_166 : memref<128x128xf32, #tpu.memory_space<hbm>>)
      "tpu.trace_stop"() : () -> ()
      tpu.yield
    }) : () -> ()
    return
  }
}

#map = affine_map<(d0, d1) -> (0)>
#map1 = affine_map<(d0, d1) -> (0, 0)>
module attributes {stable_mosaic.version = 14 : i64} {
  func.func @sk(%arg0: i32, %arg1: i32, %arg2: memref<327680xi32, #tpu.memory_space<hbm>>, %arg3: memref<1310720xf32, #tpu.memory_space<hbm>>, %arg4: memref<40960xf32, #tpu.memory_space<hbm>>, %arg5: memref<32x40960xf32, #tpu.memory_space<hbm>>, %arg6: memref<40960xf32, #tpu.memory_space<vmem>>, %arg7: memref<128xi32, #tpu.memory_space<vmem>>, %arg8: memref<512xf32, #tpu.memory_space<vmem>>) attributes {dimension_semantics = [#tpu.dimension_semantics<core_parallel>, #tpu.dimension_semantics<subcore_parallel>], iteration_bounds = array<i64: 2, 16>, scalar_prefetch = 0 : i64, scratch_operands = 3 : i64, tpu.core_type = #tpu.core_type<sc_vector_subcore>, window_params = [{transform_indices = #map}, {transform_indices = #map}, {transform_indices = #map}, {transform_indices = #map1}]} {
    %mul3A = arith.constant 16 : i32
    %mul3A_0 = arith.muli %arg0, %mul3A : i32
    %add3A = arith.addi %mul3A_0, %arg1 : i32
    %mul3A_1 = arith.constant 10240 : i32
    %mul3A_2 = arith.muli %add3A, %mul3A_1 : i32
    "tpu.region"() ({
      %run_scoped3A = tpu.sem_alloc : memref<!tpu.dma_semaphore, #tpu.memory_space<semaphore_mem>>
      tpu.enqueue_dma source(%arg4 : memref<40960xf32, #tpu.memory_space<hbm>>) target(%arg6 : memref<40960xf32, #tpu.memory_space<vmem>>) target_semaphore(%run_scoped3A : memref<!tpu.dma_semaphore, #tpu.memory_space<semaphore_mem>>)
      tpu.wait_dma2 semaphore(%run_scoped3A : memref<!tpu.dma_semaphore, #tpu.memory_space<semaphore_mem>>) src(%arg4 : memref<40960xf32, #tpu.memory_space<hbm>>) dst(%arg6 : memref<40960xf32, #tpu.memory_space<vmem>>)
      tpu.yield
    }) : () -> ()
    %iota3A = tpu.iota {dimensions = array<i32: 0>} : vector<16xi32>
    %jit3A = arith.constant 4 : i32
    %div3A = vector.broadcast %jit3A : i32 to vector<16xi32>
    %div3A_3 = arith.divsi %iota3A, %div3A : vector<16xi32>
    %sign3A = arith.constant 0 : i32
    %sign3A_4 = vector.broadcast %sign3A : i32 to vector<16xi32>
    %sign3A_5 = arith.cmpi sgt, %iota3A, %sign3A_4 : vector<16xi32>
    %sign3A_6 = arith.extui %sign3A_5 : vector<16xi1> to vector<16xi32>
    %sign3A_7 = arith.constant 0 : i32
    %sign3A_8 = vector.broadcast %sign3A_7 : i32 to vector<16xi32>
    %sign3A_9 = arith.cmpi slt, %iota3A, %sign3A_8 : vector<16xi32>
    %sign3A_10 = arith.extui %sign3A_9 : vector<16xi1> to vector<16xi32>
    %sign3A_11 = arith.subi %sign3A_6, %sign3A_10 : vector<16xi32>
    %sign3A_12 = arith.constant 0 : i32
    %sign3A_13 = arith.cmpi sgt, %jit3A, %sign3A_12 : i32
    %sign3A_14 = arith.extui %sign3A_13 : i1 to i32
    %sign3A_15 = arith.constant 0 : i32
    %sign3A_16 = arith.cmpi slt, %jit3A, %sign3A_15 : i32
    %sign3A_17 = arith.extui %sign3A_16 : i1 to i32
    %sign3A_18 = arith.subi %sign3A_14, %sign3A_17 : i32
    %ne3A = vector.broadcast %sign3A_18 : i32 to vector<16xi32>
    %ne3A_19 = arith.cmpi ne, %sign3A_11, %ne3A : vector<16xi32>
    %rem3A = vector.broadcast %jit3A : i32 to vector<16xi32>
    %rem3A_20 = arith.remsi %iota3A, %rem3A : vector<16xi32>
    %ne3A_21 = arith.constant 0 : i32
    %ne3A_22 = vector.broadcast %ne3A_21 : i32 to vector<16xi32>
    %ne3A_23 = arith.cmpi ne, %rem3A_20, %ne3A_22 : vector<16xi32>
    %and3A = arith.andi %ne3A_19, %ne3A_23 : vector<16xi1>
    %sub3A = arith.constant 1 : i32
    %sub3A_24 = vector.broadcast %sub3A : i32 to vector<16xi32>
    %sub3A_25 = arith.subi %div3A_3, %sub3A_24 : vector<16xi32>
    %select_n3A = arith.select %and3A, %sub3A_25, %div3A_3 : vector<16xi1>, vector<16xi32>
    %iota3A_26 = tpu.iota {dimensions = array<i32: 0>} : vector<16xi32>
    %jit3A_27 = arith.constant 4 : i32
    %eq3A = arith.constant 0 : i32
    %eq3A_28 = arith.cmpi eq, %jit3A_27, %eq3A : i32
    %jit3A_29 = arith.constant 1 : i32
    %select_n3A_30 = arith.select %eq3A_28, %jit3A_29, %jit3A_27 : i32
    %rem3A_31 = vector.broadcast %select_n3A_30 : i32 to vector<16xi32>
    %rem3A_32 = arith.remsi %iota3A_26, %rem3A_31 : vector<16xi32>
    %ne3A_33 = arith.constant 0 : i32
    %ne3A_34 = vector.broadcast %ne3A_33 : i32 to vector<16xi32>
    %ne3A_35 = arith.cmpi ne, %rem3A_32, %ne3A_34 : vector<16xi32>
    %lt3A = arith.constant 0 : i32
    %lt3A_36 = vector.broadcast %lt3A : i32 to vector<16xi32>
    %lt3A_37 = arith.cmpi slt, %rem3A_32, %lt3A_36 : vector<16xi32>
    %lt3A_38 = arith.constant 0 : i32
    %lt3A_39 = arith.cmpi slt, %select_n3A_30, %lt3A_38 : i32
    %ne3A_40 = vector.broadcast %lt3A_39 : i1 to vector<16xi1>
    %ne3A_41 = vector.broadcast %ne3A_40 : vector<16xi1> to vector<16xi1>
    %ne3A_42 = arith.xori %lt3A_37, %ne3A_41 : vector<16xi1>
    %and3A_43 = arith.andi %ne3A_42, %ne3A_35 : vector<16xi1>
    %add3A_44 = vector.broadcast %select_n3A_30 : i32 to vector<16xi32>
    %add3A_45 = arith.addi %rem3A_32, %add3A_44 : vector<16xi32>
    %select_n3A_46 = arith.select %and3A_43, %add3A_45, %rem3A_32 : vector<16xi1>, vector<16xi32>
    %scan3A = arith.constant 0 : i32
    %scan3A_47 = arith.constant 80 : i32
    %scan3A_48 = arith.addi %scan3A, %scan3A_47 : i32
    %scan3A_49 = arith.constant 1 : i32
    scf.for %scan3A_51 = %scan3A to %scan3A_48 step %scan3A_49  : i32 {
      %mul3A_52 = arith.constant 1 : i32
      %mul3A_53 = arith.muli %scan3A_51, %mul3A_52 : i32
      %add3A_54 = arith.constant 0 : i32
      %add3A_55 = arith.addi %add3A_54, %mul3A_53 : i32
      %mul3A_56 = arith.constant 128 : i32
      %mul3A_57 = arith.muli %add3A_55, %mul3A_56 : i32
      %add3A_58 = arith.addi %mul3A_2, %mul3A_57 : i32
      "tpu.region"() ({
        %run_scoped3A = tpu.sem_alloc : memref<!tpu.dma_semaphore, #tpu.memory_space<semaphore_mem>>
        %dma_start3A = tpu.memref_slice %arg2[%add3A_58] : memref<327680xi32, #tpu.memory_space<hbm>> -> memref<128xi32, #tpu.memory_space<hbm>>
        %dma_start3A_379 = tpu.memref_slice %arg2[%add3A_58] : memref<327680xi32, #tpu.memory_space<hbm>> -> memref<128xi32, #tpu.memory_space<hbm>>
        tpu.enqueue_dma source(%dma_start3A_379 : memref<128xi32, #tpu.memory_space<hbm>>) target(%arg7 : memref<128xi32, #tpu.memory_space<vmem>>) target_semaphore(%run_scoped3A : memref<!tpu.dma_semaphore, #tpu.memory_space<semaphore_mem>>)
        %dma_wait3A = tpu.memref_slice %arg2[%add3A_58] : memref<327680xi32, #tpu.memory_space<hbm>> -> memref<128xi32, #tpu.memory_space<hbm>>
        %dma_wait3A_380 = tpu.memref_slice %arg2[%add3A_58] : memref<327680xi32, #tpu.memory_space<hbm>> -> memref<128xi32, #tpu.memory_space<hbm>>
        tpu.wait_dma2 semaphore(%run_scoped3A : memref<!tpu.dma_semaphore, #tpu.memory_space<semaphore_mem>>) src(%dma_wait3A_380 : memref<128xi32, #tpu.memory_space<hbm>>) dst(%arg7 : memref<128xi32, #tpu.memory_space<vmem>>)
        tpu.yield
      }) : () -> ()
      %mul3A_59 = arith.constant 4 : i32
      %mul3A_60 = arith.muli %add3A_58, %mul3A_59 : i32
      "tpu.region"() ({
        %run_scoped3A = tpu.sem_alloc : memref<!tpu.dma_semaphore, #tpu.memory_space<semaphore_mem>>
        %dma_start3A = tpu.memref_slice %arg3[%mul3A_60] : memref<1310720xf32, #tpu.memory_space<hbm>> -> memref<512xf32, #tpu.memory_space<hbm>>
        %dma_start3A_379 = tpu.memref_slice %arg3[%mul3A_60] : memref<1310720xf32, #tpu.memory_space<hbm>> -> memref<512xf32, #tpu.memory_space<hbm>>
        tpu.enqueue_dma source(%dma_start3A_379 : memref<512xf32, #tpu.memory_space<hbm>>) target(%arg8 : memref<512xf32, #tpu.memory_space<vmem>>) target_semaphore(%run_scoped3A : memref<!tpu.dma_semaphore, #tpu.memory_space<semaphore_mem>>)
        %dma_wait3A = tpu.memref_slice %arg3[%mul3A_60] : memref<1310720xf32, #tpu.memory_space<hbm>> -> memref<512xf32, #tpu.memory_space<hbm>>
        %dma_wait3A_380 = tpu.memref_slice %arg3[%mul3A_60] : memref<1310720xf32, #tpu.memory_space<hbm>> -> memref<512xf32, #tpu.memory_space<hbm>>
        tpu.wait_dma2 semaphore(%run_scoped3A : memref<!tpu.dma_semaphore, #tpu.memory_space<semaphore_mem>>) src(%dma_wait3A_380 : memref<512xf32, #tpu.memory_space<hbm>>) dst(%arg8 : memref<512xf32, #tpu.memory_space<vmem>>)
        tpu.yield
      }) : () -> ()
      %add3A_61 = arith.constant 0 : i32
      %add3A_62 = vector.broadcast %add3A_61 : i32 to vector<16xi32>
      %add3A_63 = arith.addi %select_n3A, %add3A_62 : vector<16xi32>
      %gather3A = tpu.vector_load_idx %arg7[%add3A_63] : memref<128xi32, #tpu.memory_space<vmem>>[vector<16xi32>], vector<16xi32>,
      %mul3A_64 = arith.constant 4 : i32
      %mul3A_65 = vector.broadcast %mul3A_64 : i32 to vector<16xi32>
      %mul3A_66 = arith.muli %gather3A, %mul3A_65 : vector<16xi32>
      %add3A_67 = arith.addi %mul3A_66, %select_n3A_46 : vector<16xi32>
      %get3A = arith.constant 0 : index
      %get3A_68 = tpu.vector_load %arg8[%get3A] {strides = array<i32>} : memref<512xf32, #tpu.memory_space<vmem>>, vector<16xf32>,
      tpu.vector_store_idx %arg6[%add3A_67], %get3A_68 {add = true} : memref<40960xf32, #tpu.memory_space<vmem>>[vector<16xi32>], vector<16xf32>,
      %add3A_69 = arith.constant 4 : i32
      %add3A_70 = vector.broadcast %add3A_69 : i32 to vector<16xi32>
      %add3A_71 = arith.addi %select_n3A, %add3A_70 : vector<16xi32>
      %gather3A_72 = tpu.vector_load_idx %arg7[%add3A_71] : memref<128xi32, #tpu.memory_space<vmem>>[vector<16xi32>], vector<16xi32>,
      %mul3A_73 = arith.constant 4 : i32
      %mul3A_74 = vector.broadcast %mul3A_73 : i32 to vector<16xi32>
      %mul3A_75 = arith.muli %gather3A_72, %mul3A_74 : vector<16xi32>
      %add3A_76 = arith.addi %mul3A_75, %select_n3A_46 : vector<16xi32>
      %get3A_77 = arith.constant 16 : index
      %get3A_78 = tpu.vector_load %arg8[%get3A_77] {strides = array<i32>} : memref<512xf32, #tpu.memory_space<vmem>>, vector<16xf32>,
      tpu.vector_store_idx %arg6[%add3A_76], %get3A_78 {add = true} : memref<40960xf32, #tpu.memory_space<vmem>>[vector<16xi32>], vector<16xf32>,
      %add3A_79 = arith.constant 8 : i32
      %add3A_80 = vector.broadcast %add3A_79 : i32 to vector<16xi32>
      %add3A_81 = arith.addi %select_n3A, %add3A_80 : vector<16xi32>
      %gather3A_82 = tpu.vector_load_idx %arg7[%add3A_81] : memref<128xi32, #tpu.memory_space<vmem>>[vector<16xi32>], vector<16xi32>,
      %mul3A_83 = arith.constant 4 : i32
      %mul3A_84 = vector.broadcast %mul3A_83 : i32 to vector<16xi32>
      %mul3A_85 = arith.muli %gather3A_82, %mul3A_84 : vector<16xi32>
      %add3A_86 = arith.addi %mul3A_85, %select_n3A_46 : vector<16xi32>
      %get3A_87 = arith.constant 32 : index
      %get3A_88 = tpu.vector_load %arg8[%get3A_87] {strides = array<i32>} : memref<512xf32, #tpu.memory_space<vmem>>, vector<16xf32>,
      tpu.vector_store_idx %arg6[%add3A_86], %get3A_88 {add = true} : memref<40960xf32, #tpu.memory_space<vmem>>[vector<16xi32>], vector<16xf32>,
      %add3A_89 = arith.constant 12 : i32
      %add3A_90 = vector.broadcast %add3A_89 : i32 to vector<16xi32>
      %add3A_91 = arith.addi %select_n3A, %add3A_90 : vector<16xi32>
      %gather3A_92 = tpu.vector_load_idx %arg7[%add3A_91] : memref<128xi32, #tpu.memory_space<vmem>>[vector<16xi32>], vector<16xi32>,
      %mul3A_93 = arith.constant 4 : i32
      %mul3A_94 = vector.broadcast %mul3A_93 : i32 to vector<16xi32>
      %mul3A_95 = arith.muli %gather3A_92, %mul3A_94 : vector<16xi32>
      %add3A_96 = arith.addi %mul3A_95, %select_n3A_46 : vector<16xi32>
      %get3A_97 = arith.constant 48 : index
      %get3A_98 = tpu.vector_load %arg8[%get3A_97] {strides = array<i32>} : memref<512xf32, #tpu.memory_space<vmem>>, vector<16xf32>,
      tpu.vector_store_idx %arg6[%add3A_96], %get3A_98 {add = true} : memref<40960xf32, #tpu.memory_space<vmem>>[vector<16xi32>], vector<16xf32>,
      %add3A_99 = arith.constant 16 : i32
      %add3A_100 = vector.broadcast %add3A_99 : i32 to vector<16xi32>
      %add3A_101 = arith.addi %select_n3A, %add3A_100 : vector<16xi32>
      %gather3A_102 = tpu.vector_load_idx %arg7[%add3A_101] : memref<128xi32, #tpu.memory_space<vmem>>[vector<16xi32>], vector<16xi32>,
      %mul3A_103 = arith.constant 4 : i32
      %mul3A_104 = vector.broadcast %mul3A_103 : i32 to vector<16xi32>
      %mul3A_105 = arith.muli %gather3A_102, %mul3A_104 : vector<16xi32>
      %add3A_106 = arith.addi %mul3A_105, %select_n3A_46 : vector<16xi32>
      %get3A_107 = arith.constant 64 : index
      %get3A_108 = tpu.vector_load %arg8[%get3A_107] {strides = array<i32>} : memref<512xf32, #tpu.memory_space<vmem>>, vector<16xf32>,
      tpu.vector_store_idx %arg6[%add3A_106], %get3A_108 {add = true} : memref<40960xf32, #tpu.memory_space<vmem>>[vector<16xi32>], vector<16xf32>,
      %add3A_109 = arith.constant 20 : i32
      %add3A_110 = vector.broadcast %add3A_109 : i32 to vector<16xi32>
      %add3A_111 = arith.addi %select_n3A, %add3A_110 : vector<16xi32>
      %gather3A_112 = tpu.vector_load_idx %arg7[%add3A_111] : memref<128xi32, #tpu.memory_space<vmem>>[vector<16xi32>], vector<16xi32>,
      %mul3A_113 = arith.constant 4 : i32
      %mul3A_114 = vector.broadcast %mul3A_113 : i32 to vector<16xi32>
      %mul3A_115 = arith.muli %gather3A_112, %mul3A_114 : vector<16xi32>
      %add3A_116 = arith.addi %mul3A_115, %select_n3A_46 : vector<16xi32>
      %get3A_117 = arith.constant 80 : index
      %get3A_118 = tpu.vector_load %arg8[%get3A_117] {strides = array<i32>} : memref<512xf32, #tpu.memory_space<vmem>>, vector<16xf32>,
      tpu.vector_store_idx %arg6[%add3A_116], %get3A_118 {add = true} : memref<40960xf32, #tpu.memory_space<vmem>>[vector<16xi32>], vector<16xf32>,
      %add3A_119 = arith.constant 24 : i32
      %add3A_120 = vector.broadcast %add3A_119 : i32 to vector<16xi32>
      %add3A_121 = arith.addi %select_n3A, %add3A_120 : vector<16xi32>
      %gather3A_122 = tpu.vector_load_idx %arg7[%add3A_121] : memref<128xi32, #tpu.memory_space<vmem>>[vector<16xi32>], vector<16xi32>,
      %mul3A_123 = arith.constant 4 : i32
      %mul3A_124 = vector.broadcast %mul3A_123 : i32 to vector<16xi32>
      %mul3A_125 = arith.muli %gather3A_122, %mul3A_124 : vector<16xi32>
      %add3A_126 = arith.addi %mul3A_125, %select_n3A_46 : vector<16xi32>
      %get3A_127 = arith.constant 96 : index
      %get3A_128 = tpu.vector_load %arg8[%get3A_127] {strides = array<i32>} : memref<512xf32, #tpu.memory_space<vmem>>, vector<16xf32>,
      tpu.vector_store_idx %arg6[%add3A_126], %get3A_128 {add = true} : memref<40960xf32, #tpu.memory_space<vmem>>[vector<16xi32>], vector<16xf32>,
      %add3A_129 = arith.constant 28 : i32
      %add3A_130 = vector.broadcast %add3A_129 : i32 to vector<16xi32>
      %add3A_131 = arith.addi %select_n3A, %add3A_130 : vector<16xi32>
      %gather3A_132 = tpu.vector_load_idx %arg7[%add3A_131] : memref<128xi32, #tpu.memory_space<vmem>>[vector<16xi32>], vector<16xi32>,
      %mul3A_133 = arith.constant 4 : i32
      %mul3A_134 = vector.broadcast %mul3A_133 : i32 to vector<16xi32>
      %mul3A_135 = arith.muli %gather3A_132, %mul3A_134 : vector<16xi32>
      %add3A_136 = arith.addi %mul3A_135, %select_n3A_46 : vector<16xi32>
      %get3A_137 = arith.constant 112 : index
      %get3A_138 = tpu.vector_load %arg8[%get3A_137] {strides = array<i32>} : memref<512xf32, #tpu.memory_space<vmem>>, vector<16xf32>,
      tpu.vector_store_idx %arg6[%add3A_136], %get3A_138 {add = true} : memref<40960xf32, #tpu.memory_space<vmem>>[vector<16xi32>], vector<16xf32>,
      %add3A_139 = arith.constant 32 : i32
      %add3A_140 = vector.broadcast %add3A_139 : i32 to vector<16xi32>
      %add3A_141 = arith.addi %select_n3A, %add3A_140 : vector<16xi32>
      %gather3A_142 = tpu.vector_load_idx %arg7[%add3A_141] : memref<128xi32, #tpu.memory_space<vmem>>[vector<16xi32>], vector<16xi32>,
      %mul3A_143 = arith.constant 4 : i32
      %mul3A_144 = vector.broadcast %mul3A_143 : i32 to vector<16xi32>
      %mul3A_145 = arith.muli %gather3A_142, %mul3A_144 : vector<16xi32>
      %add3A_146 = arith.addi %mul3A_145, %select_n3A_46 : vector<16xi32>
      %get3A_147 = arith.constant 128 : index
      %get3A_148 = tpu.vector_load %arg8[%get3A_147] {strides = array<i32>} : memref<512xf32, #tpu.memory_space<vmem>>, vector<16xf32>,
      tpu.vector_store_idx %arg6[%add3A_146], %get3A_148 {add = true} : memref<40960xf32, #tpu.memory_space<vmem>>[vector<16xi32>], vector<16xf32>,
      %add3A_149 = arith.constant 36 : i32
      %add3A_150 = vector.broadcast %add3A_149 : i32 to vector<16xi32>
      %add3A_151 = arith.addi %select_n3A, %add3A_150 : vector<16xi32>
      %gather3A_152 = tpu.vector_load_idx %arg7[%add3A_151] : memref<128xi32, #tpu.memory_space<vmem>>[vector<16xi32>], vector<16xi32>,
      %mul3A_153 = arith.constant 4 : i32
      %mul3A_154 = vector.broadcast %mul3A_153 : i32 to vector<16xi32>
      %mul3A_155 = arith.muli %gather3A_152, %mul3A_154 : vector<16xi32>
      %add3A_156 = arith.addi %mul3A_155, %select_n3A_46 : vector<16xi32>
      %get3A_157 = arith.constant 144 : index
      %get3A_158 = tpu.vector_load %arg8[%get3A_157] {strides = array<i32>} : memref<512xf32, #tpu.memory_space<vmem>>, vector<16xf32>,
      tpu.vector_store_idx %arg6[%add3A_156], %get3A_158 {add = true} : memref<40960xf32, #tpu.memory_space<vmem>>[vector<16xi32>], vector<16xf32>,
      %add3A_159 = arith.constant 40 : i32
      %add3A_160 = vector.broadcast %add3A_159 : i32 to vector<16xi32>
      %add3A_161 = arith.addi %select_n3A, %add3A_160 : vector<16xi32>
      %gather3A_162 = tpu.vector_load_idx %arg7[%add3A_161] : memref<128xi32, #tpu.memory_space<vmem>>[vector<16xi32>], vector<16xi32>,
      %mul3A_163 = arith.constant 4 : i32
      %mul3A_164 = vector.broadcast %mul3A_163 : i32 to vector<16xi32>
      %mul3A_165 = arith.muli %gather3A_162, %mul3A_164 : vector<16xi32>
      %add3A_166 = arith.addi %mul3A_165, %select_n3A_46 : vector<16xi32>
      %get3A_167 = arith.constant 160 : index
      %get3A_168 = tpu.vector_load %arg8[%get3A_167] {strides = array<i32>} : memref<512xf32, #tpu.memory_space<vmem>>, vector<16xf32>,
      tpu.vector_store_idx %arg6[%add3A_166], %get3A_168 {add = true} : memref<40960xf32, #tpu.memory_space<vmem>>[vector<16xi32>], vector<16xf32>,
      %add3A_169 = arith.constant 44 : i32
      %add3A_170 = vector.broadcast %add3A_169 : i32 to vector<16xi32>
      %add3A_171 = arith.addi %select_n3A, %add3A_170 : vector<16xi32>
      %gather3A_172 = tpu.vector_load_idx %arg7[%add3A_171] : memref<128xi32, #tpu.memory_space<vmem>>[vector<16xi32>], vector<16xi32>,
      %mul3A_173 = arith.constant 4 : i32
      %mul3A_174 = vector.broadcast %mul3A_173 : i32 to vector<16xi32>
      %mul3A_175 = arith.muli %gather3A_172, %mul3A_174 : vector<16xi32>
      %add3A_176 = arith.addi %mul3A_175, %select_n3A_46 : vector<16xi32>
      %get3A_177 = arith.constant 176 : index
      %get3A_178 = tpu.vector_load %arg8[%get3A_177] {strides = array<i32>} : memref<512xf32, #tpu.memory_space<vmem>>, vector<16xf32>,
      tpu.vector_store_idx %arg6[%add3A_176], %get3A_178 {add = true} : memref<40960xf32, #tpu.memory_space<vmem>>[vector<16xi32>], vector<16xf32>,
      %add3A_179 = arith.constant 48 : i32
      %add3A_180 = vector.broadcast %add3A_179 : i32 to vector<16xi32>
      %add3A_181 = arith.addi %select_n3A, %add3A_180 : vector<16xi32>
      %gather3A_182 = tpu.vector_load_idx %arg7[%add3A_181] : memref<128xi32, #tpu.memory_space<vmem>>[vector<16xi32>], vector<16xi32>,
      %mul3A_183 = arith.constant 4 : i32
      %mul3A_184 = vector.broadcast %mul3A_183 : i32 to vector<16xi32>
      %mul3A_185 = arith.muli %gather3A_182, %mul3A_184 : vector<16xi32>
      %add3A_186 = arith.addi %mul3A_185, %select_n3A_46 : vector<16xi32>
      %get3A_187 = arith.constant 192 : index
      %get3A_188 = tpu.vector_load %arg8[%get3A_187] {strides = array<i32>} : memref<512xf32, #tpu.memory_space<vmem>>, vector<16xf32>,
      tpu.vector_store_idx %arg6[%add3A_186], %get3A_188 {add = true} : memref<40960xf32, #tpu.memory_space<vmem>>[vector<16xi32>], vector<16xf32>,
      %add3A_189 = arith.constant 52 : i32
      %add3A_190 = vector.broadcast %add3A_189 : i32 to vector<16xi32>
      %add3A_191 = arith.addi %select_n3A, %add3A_190 : vector<16xi32>
      %gather3A_192 = tpu.vector_load_idx %arg7[%add3A_191] : memref<128xi32, #tpu.memory_space<vmem>>[vector<16xi32>], vector<16xi32>,
      %mul3A_193 = arith.constant 4 : i32
      %mul3A_194 = vector.broadcast %mul3A_193 : i32 to vector<16xi32>
      %mul3A_195 = arith.muli %gather3A_192, %mul3A_194 : vector<16xi32>
      %add3A_196 = arith.addi %mul3A_195, %select_n3A_46 : vector<16xi32>
      %get3A_197 = arith.constant 208 : index
      %get3A_198 = tpu.vector_load %arg8[%get3A_197] {strides = array<i32>} : memref<512xf32, #tpu.memory_space<vmem>>, vector<16xf32>,
      tpu.vector_store_idx %arg6[%add3A_196], %get3A_198 {add = true} : memref<40960xf32, #tpu.memory_space<vmem>>[vector<16xi32>], vector<16xf32>,
      %add3A_199 = arith.constant 56 : i32
      %add3A_200 = vector.broadcast %add3A_199 : i32 to vector<16xi32>
      %add3A_201 = arith.addi %select_n3A, %add3A_200 : vector<16xi32>
      %gather3A_202 = tpu.vector_load_idx %arg7[%add3A_201] : memref<128xi32, #tpu.memory_space<vmem>>[vector<16xi32>], vector<16xi32>,
      %mul3A_203 = arith.constant 4 : i32
      %mul3A_204 = vector.broadcast %mul3A_203 : i32 to vector<16xi32>
      %mul3A_205 = arith.muli %gather3A_202, %mul3A_204 : vector<16xi32>
      %add3A_206 = arith.addi %mul3A_205, %select_n3A_46 : vector<16xi32>
      %get3A_207 = arith.constant 224 : index
      %get3A_208 = tpu.vector_load %arg8[%get3A_207] {strides = array<i32>} : memref<512xf32, #tpu.memory_space<vmem>>, vector<16xf32>,
      tpu.vector_store_idx %arg6[%add3A_206], %get3A_208 {add = true} : memref<40960xf32, #tpu.memory_space<vmem>>[vector<16xi32>], vector<16xf32>,
      %add3A_209 = arith.constant 60 : i32
      %add3A_210 = vector.broadcast %add3A_209 : i32 to vector<16xi32>
      %add3A_211 = arith.addi %select_n3A, %add3A_210 : vector<16xi32>
      %gather3A_212 = tpu.vector_load_idx %arg7[%add3A_211] : memref<128xi32, #tpu.memory_space<vmem>>[vector<16xi32>], vector<16xi32>,
      %mul3A_213 = arith.constant 4 : i32
      %mul3A_214 = vector.broadcast %mul3A_213 : i32 to vector<16xi32>
      %mul3A_215 = arith.muli %gather3A_212, %mul3A_214 : vector<16xi32>
      %add3A_216 = arith.addi %mul3A_215, %select_n3A_46 : vector<16xi32>
      %get3A_217 = arith.constant 240 : index
      %get3A_218 = tpu.vector_load %arg8[%get3A_217] {strides = array<i32>} : memref<512xf32, #tpu.memory_space<vmem>>, vector<16xf32>,
      tpu.vector_store_idx %arg6[%add3A_216], %get3A_218 {add = true} : memref<40960xf32, #tpu.memory_space<vmem>>[vector<16xi32>], vector<16xf32>,
      %add3A_219 = arith.constant 64 : i32
      %add3A_220 = vector.broadcast %add3A_219 : i32 to vector<16xi32>
      %add3A_221 = arith.addi %select_n3A, %add3A_220 : vector<16xi32>
      %gather3A_222 = tpu.vector_load_idx %arg7[%add3A_221] : memref<128xi32, #tpu.memory_space<vmem>>[vector<16xi32>], vector<16xi32>,
      %mul3A_223 = arith.constant 4 : i32
      %mul3A_224 = vector.broadcast %mul3A_223 : i32 to vector<16xi32>
      %mul3A_225 = arith.muli %gather3A_222, %mul3A_224 : vector<16xi32>
      %add3A_226 = arith.addi %mul3A_225, %select_n3A_46 : vector<16xi32>
      %get3A_227 = arith.constant 256 : index
      %get3A_228 = tpu.vector_load %arg8[%get3A_227] {strides = array<i32>} : memref<512xf32, #tpu.memory_space<vmem>>, vector<16xf32>,
      tpu.vector_store_idx %arg6[%add3A_226], %get3A_228 {add = true} : memref<40960xf32, #tpu.memory_space<vmem>>[vector<16xi32>], vector<16xf32>,
      %add3A_229 = arith.constant 68 : i32
      %add3A_230 = vector.broadcast %add3A_229 : i32 to vector<16xi32>
      %add3A_231 = arith.addi %select_n3A, %add3A_230 : vector<16xi32>
      %gather3A_232 = tpu.vector_load_idx %arg7[%add3A_231] : memref<128xi32, #tpu.memory_space<vmem>>[vector<16xi32>], vector<16xi32>,
      %mul3A_233 = arith.constant 4 : i32
      %mul3A_234 = vector.broadcast %mul3A_233 : i32 to vector<16xi32>
      %mul3A_235 = arith.muli %gather3A_232, %mul3A_234 : vector<16xi32>
      %add3A_236 = arith.addi %mul3A_235, %select_n3A_46 : vector<16xi32>
      %get3A_237 = arith.constant 272 : index
      %get3A_238 = tpu.vector_load %arg8[%get3A_237] {strides = array<i32>} : memref<512xf32, #tpu.memory_space<vmem>>, vector<16xf32>,
      tpu.vector_store_idx %arg6[%add3A_236], %get3A_238 {add = true} : memref<40960xf32, #tpu.memory_space<vmem>>[vector<16xi32>], vector<16xf32>,
      %add3A_239 = arith.constant 72 : i32
      %add3A_240 = vector.broadcast %add3A_239 : i32 to vector<16xi32>
      %add3A_241 = arith.addi %select_n3A, %add3A_240 : vector<16xi32>
      %gather3A_242 = tpu.vector_load_idx %arg7[%add3A_241] : memref<128xi32, #tpu.memory_space<vmem>>[vector<16xi32>], vector<16xi32>,
      %mul3A_243 = arith.constant 4 : i32
      %mul3A_244 = vector.broadcast %mul3A_243 : i32 to vector<16xi32>
      %mul3A_245 = arith.muli %gather3A_242, %mul3A_244 : vector<16xi32>
      %add3A_246 = arith.addi %mul3A_245, %select_n3A_46 : vector<16xi32>
      %get3A_247 = arith.constant 288 : index
      %get3A_248 = tpu.vector_load %arg8[%get3A_247] {strides = array<i32>} : memref<512xf32, #tpu.memory_space<vmem>>, vector<16xf32>,
      tpu.vector_store_idx %arg6[%add3A_246], %get3A_248 {add = true} : memref<40960xf32, #tpu.memory_space<vmem>>[vector<16xi32>], vector<16xf32>,
      %add3A_249 = arith.constant 76 : i32
      %add3A_250 = vector.broadcast %add3A_249 : i32 to vector<16xi32>
      %add3A_251 = arith.addi %select_n3A, %add3A_250 : vector<16xi32>
      %gather3A_252 = tpu.vector_load_idx %arg7[%add3A_251] : memref<128xi32, #tpu.memory_space<vmem>>[vector<16xi32>], vector<16xi32>,
      %mul3A_253 = arith.constant 4 : i32
      %mul3A_254 = vector.broadcast %mul3A_253 : i32 to vector<16xi32>
      %mul3A_255 = arith.muli %gather3A_252, %mul3A_254 : vector<16xi32>
      %add3A_256 = arith.addi %mul3A_255, %select_n3A_46 : vector<16xi32>
      %get3A_257 = arith.constant 304 : index
      %get3A_258 = tpu.vector_load %arg8[%get3A_257] {strides = array<i32>} : memref<512xf32, #tpu.memory_space<vmem>>, vector<16xf32>,
      tpu.vector_store_idx %arg6[%add3A_256], %get3A_258 {add = true} : memref<40960xf32, #tpu.memory_space<vmem>>[vector<16xi32>], vector<16xf32>,
      %add3A_259 = arith.constant 80 : i32
      %add3A_260 = vector.broadcast %add3A_259 : i32 to vector<16xi32>
      %add3A_261 = arith.addi %select_n3A, %add3A_260 : vector<16xi32>
      %gather3A_262 = tpu.vector_load_idx %arg7[%add3A_261] : memref<128xi32, #tpu.memory_space<vmem>>[vector<16xi32>], vector<16xi32>,
      %mul3A_263 = arith.constant 4 : i32
      %mul3A_264 = vector.broadcast %mul3A_263 : i32 to vector<16xi32>
      %mul3A_265 = arith.muli %gather3A_262, %mul3A_264 : vector<16xi32>
      %add3A_266 = arith.addi %mul3A_265, %select_n3A_46 : vector<16xi32>
      %get3A_267 = arith.constant 320 : index
      %get3A_268 = tpu.vector_load %arg8[%get3A_267] {strides = array<i32>} : memref<512xf32, #tpu.memory_space<vmem>>, vector<16xf32>,
      tpu.vector_store_idx %arg6[%add3A_266], %get3A_268 {add = true} : memref<40960xf32, #tpu.memory_space<vmem>>[vector<16xi32>], vector<16xf32>,
      %add3A_269 = arith.constant 84 : i32
      %add3A_270 = vector.broadcast %add3A_269 : i32 to vector<16xi32>
      %add3A_271 = arith.addi %select_n3A, %add3A_270 : vector<16xi32>
      %gather3A_272 = tpu.vector_load_idx %arg7[%add3A_271] : memref<128xi32, #tpu.memory_space<vmem>>[vector<16xi32>], vector<16xi32>,
      %mul3A_273 = arith.constant 4 : i32
      %mul3A_274 = vector.broadcast %mul3A_273 : i32 to vector<16xi32>
      %mul3A_275 = arith.muli %gather3A_272, %mul3A_274 : vector<16xi32>
      %add3A_276 = arith.addi %mul3A_275, %select_n3A_46 : vector<16xi32>
      %get3A_277 = arith.constant 336 : index
      %get3A_278 = tpu.vector_load %arg8[%get3A_277] {strides = array<i32>} : memref<512xf32, #tpu.memory_space<vmem>>, vector<16xf32>,
      tpu.vector_store_idx %arg6[%add3A_276], %get3A_278 {add = true} : memref<40960xf32, #tpu.memory_space<vmem>>[vector<16xi32>], vector<16xf32>,
      %add3A_279 = arith.constant 88 : i32
      %add3A_280 = vector.broadcast %add3A_279 : i32 to vector<16xi32>
      %add3A_281 = arith.addi %select_n3A, %add3A_280 : vector<16xi32>
      %gather3A_282 = tpu.vector_load_idx %arg7[%add3A_281] : memref<128xi32, #tpu.memory_space<vmem>>[vector<16xi32>], vector<16xi32>,
      %mul3A_283 = arith.constant 4 : i32
      %mul3A_284 = vector.broadcast %mul3A_283 : i32 to vector<16xi32>
      %mul3A_285 = arith.muli %gather3A_282, %mul3A_284 : vector<16xi32>
      %add3A_286 = arith.addi %mul3A_285, %select_n3A_46 : vector<16xi32>
      %get3A_287 = arith.constant 352 : index
      %get3A_288 = tpu.vector_load %arg8[%get3A_287] {strides = array<i32>} : memref<512xf32, #tpu.memory_space<vmem>>, vector<16xf32>,
      tpu.vector_store_idx %arg6[%add3A_286], %get3A_288 {add = true} : memref<40960xf32, #tpu.memory_space<vmem>>[vector<16xi32>], vector<16xf32>,
      %add3A_289 = arith.constant 92 : i32
      %add3A_290 = vector.broadcast %add3A_289 : i32 to vector<16xi32>
      %add3A_291 = arith.addi %select_n3A, %add3A_290 : vector<16xi32>
      %gather3A_292 = tpu.vector_load_idx %arg7[%add3A_291] : memref<128xi32, #tpu.memory_space<vmem>>[vector<16xi32>], vector<16xi32>,
      %mul3A_293 = arith.constant 4 : i32
      %mul3A_294 = vector.broadcast %mul3A_293 : i32 to vector<16xi32>
      %mul3A_295 = arith.muli %gather3A_292, %mul3A_294 : vector<16xi32>
      %add3A_296 = arith.addi %mul3A_295, %select_n3A_46 : vector<16xi32>
      %get3A_297 = arith.constant 368 : index
      %get3A_298 = tpu.vector_load %arg8[%get3A_297] {strides = array<i32>} : memref<512xf32, #tpu.memory_space<vmem>>, vector<16xf32>,
      tpu.vector_store_idx %arg6[%add3A_296], %get3A_298 {add = true} : memref<40960xf32, #tpu.memory_space<vmem>>[vector<16xi32>], vector<16xf32>,
      %add3A_299 = arith.constant 96 : i32
      %add3A_300 = vector.broadcast %add3A_299 : i32 to vector<16xi32>
      %add3A_301 = arith.addi %select_n3A, %add3A_300 : vector<16xi32>
      %gather3A_302 = tpu.vector_load_idx %arg7[%add3A_301] : memref<128xi32, #tpu.memory_space<vmem>>[vector<16xi32>], vector<16xi32>,
      %mul3A_303 = arith.constant 4 : i32
      %mul3A_304 = vector.broadcast %mul3A_303 : i32 to vector<16xi32>
      %mul3A_305 = arith.muli %gather3A_302, %mul3A_304 : vector<16xi32>
      %add3A_306 = arith.addi %mul3A_305, %select_n3A_46 : vector<16xi32>
      %get3A_307 = arith.constant 384 : index
      %get3A_308 = tpu.vector_load %arg8[%get3A_307] {strides = array<i32>} : memref<512xf32, #tpu.memory_space<vmem>>, vector<16xf32>,
      tpu.vector_store_idx %arg6[%add3A_306], %get3A_308 {add = true} : memref<40960xf32, #tpu.memory_space<vmem>>[vector<16xi32>], vector<16xf32>,
      %add3A_309 = arith.constant 100 : i32
      %add3A_310 = vector.broadcast %add3A_309 : i32 to vector<16xi32>
      %add3A_311 = arith.addi %select_n3A, %add3A_310 : vector<16xi32>
      %gather3A_312 = tpu.vector_load_idx %arg7[%add3A_311] : memref<128xi32, #tpu.memory_space<vmem>>[vector<16xi32>], vector<16xi32>,
      %mul3A_313 = arith.constant 4 : i32
      %mul3A_314 = vector.broadcast %mul3A_313 : i32 to vector<16xi32>
      %mul3A_315 = arith.muli %gather3A_312, %mul3A_314 : vector<16xi32>
      %add3A_316 = arith.addi %mul3A_315, %select_n3A_46 : vector<16xi32>
      %get3A_317 = arith.constant 400 : index
      %get3A_318 = tpu.vector_load %arg8[%get3A_317] {strides = array<i32>} : memref<512xf32, #tpu.memory_space<vmem>>, vector<16xf32>,
      tpu.vector_store_idx %arg6[%add3A_316], %get3A_318 {add = true} : memref<40960xf32, #tpu.memory_space<vmem>>[vector<16xi32>], vector<16xf32>,
      %add3A_319 = arith.constant 104 : i32
      %add3A_320 = vector.broadcast %add3A_319 : i32 to vector<16xi32>
      %add3A_321 = arith.addi %select_n3A, %add3A_320 : vector<16xi32>
      %gather3A_322 = tpu.vector_load_idx %arg7[%add3A_321] : memref<128xi32, #tpu.memory_space<vmem>>[vector<16xi32>], vector<16xi32>,
      %mul3A_323 = arith.constant 4 : i32
      %mul3A_324 = vector.broadcast %mul3A_323 : i32 to vector<16xi32>
      %mul3A_325 = arith.muli %gather3A_322, %mul3A_324 : vector<16xi32>
      %add3A_326 = arith.addi %mul3A_325, %select_n3A_46 : vector<16xi32>
      %get3A_327 = arith.constant 416 : index
      %get3A_328 = tpu.vector_load %arg8[%get3A_327] {strides = array<i32>} : memref<512xf32, #tpu.memory_space<vmem>>, vector<16xf32>,
      tpu.vector_store_idx %arg6[%add3A_326], %get3A_328 {add = true} : memref<40960xf32, #tpu.memory_space<vmem>>[vector<16xi32>], vector<16xf32>,
      %add3A_329 = arith.constant 108 : i32
      %add3A_330 = vector.broadcast %add3A_329 : i32 to vector<16xi32>
      %add3A_331 = arith.addi %select_n3A, %add3A_330 : vector<16xi32>
      %gather3A_332 = tpu.vector_load_idx %arg7[%add3A_331] : memref<128xi32, #tpu.memory_space<vmem>>[vector<16xi32>], vector<16xi32>,
      %mul3A_333 = arith.constant 4 : i32
      %mul3A_334 = vector.broadcast %mul3A_333 : i32 to vector<16xi32>
      %mul3A_335 = arith.muli %gather3A_332, %mul3A_334 : vector<16xi32>
      %add3A_336 = arith.addi %mul3A_335, %select_n3A_46 : vector<16xi32>
      %get3A_337 = arith.constant 432 : index
      %get3A_338 = tpu.vector_load %arg8[%get3A_337] {strides = array<i32>} : memref<512xf32, #tpu.memory_space<vmem>>, vector<16xf32>,
      tpu.vector_store_idx %arg6[%add3A_336], %get3A_338 {add = true} : memref<40960xf32, #tpu.memory_space<vmem>>[vector<16xi32>], vector<16xf32>,
      %add3A_339 = arith.constant 112 : i32
      %add3A_340 = vector.broadcast %add3A_339 : i32 to vector<16xi32>
      %add3A_341 = arith.addi %select_n3A, %add3A_340 : vector<16xi32>
      %gather3A_342 = tpu.vector_load_idx %arg7[%add3A_341] : memref<128xi32, #tpu.memory_space<vmem>>[vector<16xi32>], vector<16xi32>,
      %mul3A_343 = arith.constant 4 : i32
      %mul3A_344 = vector.broadcast %mul3A_343 : i32 to vector<16xi32>
      %mul3A_345 = arith.muli %gather3A_342, %mul3A_344 : vector<16xi32>
      %add3A_346 = arith.addi %mul3A_345, %select_n3A_46 : vector<16xi32>
      %get3A_347 = arith.constant 448 : index
      %get3A_348 = tpu.vector_load %arg8[%get3A_347] {strides = array<i32>} : memref<512xf32, #tpu.memory_space<vmem>>, vector<16xf32>,
      tpu.vector_store_idx %arg6[%add3A_346], %get3A_348 {add = true} : memref<40960xf32, #tpu.memory_space<vmem>>[vector<16xi32>], vector<16xf32>,
      %add3A_349 = arith.constant 116 : i32
      %add3A_350 = vector.broadcast %add3A_349 : i32 to vector<16xi32>
      %add3A_351 = arith.addi %select_n3A, %add3A_350 : vector<16xi32>
      %gather3A_352 = tpu.vector_load_idx %arg7[%add3A_351] : memref<128xi32, #tpu.memory_space<vmem>>[vector<16xi32>], vector<16xi32>,
      %mul3A_353 = arith.constant 4 : i32
      %mul3A_354 = vector.broadcast %mul3A_353 : i32 to vector<16xi32>
      %mul3A_355 = arith.muli %gather3A_352, %mul3A_354 : vector<16xi32>
      %add3A_356 = arith.addi %mul3A_355, %select_n3A_46 : vector<16xi32>
      %get3A_357 = arith.constant 464 : index
      %get3A_358 = tpu.vector_load %arg8[%get3A_357] {strides = array<i32>} : memref<512xf32, #tpu.memory_space<vmem>>, vector<16xf32>,
      tpu.vector_store_idx %arg6[%add3A_356], %get3A_358 {add = true} : memref<40960xf32, #tpu.memory_space<vmem>>[vector<16xi32>], vector<16xf32>,
      %add3A_359 = arith.constant 120 : i32
      %add3A_360 = vector.broadcast %add3A_359 : i32 to vector<16xi32>
      %add3A_361 = arith.addi %select_n3A, %add3A_360 : vector<16xi32>
      %gather3A_362 = tpu.vector_load_idx %arg7[%add3A_361] : memref<128xi32, #tpu.memory_space<vmem>>[vector<16xi32>], vector<16xi32>,
      %mul3A_363 = arith.constant 4 : i32
      %mul3A_364 = vector.broadcast %mul3A_363 : i32 to vector<16xi32>
      %mul3A_365 = arith.muli %gather3A_362, %mul3A_364 : vector<16xi32>
      %add3A_366 = arith.addi %mul3A_365, %select_n3A_46 : vector<16xi32>
      %get3A_367 = arith.constant 480 : index
      %get3A_368 = tpu.vector_load %arg8[%get3A_367] {strides = array<i32>} : memref<512xf32, #tpu.memory_space<vmem>>, vector<16xf32>,
      tpu.vector_store_idx %arg6[%add3A_366], %get3A_368 {add = true} : memref<40960xf32, #tpu.memory_space<vmem>>[vector<16xi32>], vector<16xf32>,
      %add3A_369 = arith.constant 124 : i32
      %add3A_370 = vector.broadcast %add3A_369 : i32 to vector<16xi32>
      %add3A_371 = arith.addi %select_n3A, %add3A_370 : vector<16xi32>
      %gather3A_372 = tpu.vector_load_idx %arg7[%add3A_371] : memref<128xi32, #tpu.memory_space<vmem>>[vector<16xi32>], vector<16xi32>,
      %mul3A_373 = arith.constant 4 : i32
      %mul3A_374 = vector.broadcast %mul3A_373 : i32 to vector<16xi32>
      %mul3A_375 = arith.muli %gather3A_372, %mul3A_374 : vector<16xi32>
      %add3A_376 = arith.addi %mul3A_375, %select_n3A_46 : vector<16xi32>
      %get3A_377 = arith.constant 496 : index
      %get3A_378 = tpu.vector_load %arg8[%get3A_377] {strides = array<i32>} : memref<512xf32, #tpu.memory_space<vmem>>, vector<16xf32>,
      tpu.vector_store_idx %arg6[%add3A_376], %get3A_378 {add = true} : memref<40960xf32, #tpu.memory_space<vmem>>[vector<16xi32>], vector<16xf32>,
    }
    %scan3A_50 = arith.constant 80 : i32
    "tpu.region"() ({
      %run_scoped3A = tpu.sem_alloc : memref<!tpu.dma_semaphore, #tpu.memory_space<semaphore_mem>>
      %dma_start3A = arith.constant 0 : i32
      %dma_start3A_51 = tpu.memref_slice %arg5[%add3A, %dma_start3A] : memref<32x40960xf32, #tpu.memory_space<hbm>> -> memref<1x40960xf32, #tpu.memory_space<hbm>>
      %dma_start3A_52 = tpu.memref_squeeze %dma_start3A_51 : memref<1x40960xf32, #tpu.memory_space<hbm>> -> memref<40960xf32, #tpu.memory_space<hbm>>
      %dma_start3A_53 = arith.constant 0 : i32
      %dma_start3A_54 = tpu.memref_slice %arg5[%add3A, %dma_start3A_53] : memref<32x40960xf32, #tpu.memory_space<hbm>> -> memref<1x40960xf32, #tpu.memory_space<hbm>>
      %dma_start3A_55 = tpu.memref_squeeze %dma_start3A_54 : memref<1x40960xf32, #tpu.memory_space<hbm>> -> memref<40960xf32, #tpu.memory_space<hbm>>
      tpu.enqueue_dma source(%arg6 : memref<40960xf32, #tpu.memory_space<vmem>>) target(%dma_start3A_55 : memref<40960xf32, #tpu.memory_space<hbm>>) target_semaphore(%run_scoped3A : memref<!tpu.dma_semaphore, #tpu.memory_space<semaphore_mem>>)
      %dma_wait3A = arith.constant 0 : i32
      %dma_wait3A_56 = tpu.memref_slice %arg5[%add3A, %dma_wait3A] : memref<32x40960xf32, #tpu.memory_space<hbm>> -> memref<1x40960xf32, #tpu.memory_space<hbm>>
      %dma_wait3A_57 = tpu.memref_squeeze %dma_wait3A_56 : memref<1x40960xf32, #tpu.memory_space<hbm>> -> memref<40960xf32, #tpu.memory_space<hbm>>
      %dma_wait3A_58 = arith.constant 0 : i32
      %dma_wait3A_59 = tpu.memref_slice %arg5[%add3A, %dma_wait3A_58] : memref<32x40960xf32, #tpu.memory_space<hbm>> -> memref<1x40960xf32, #tpu.memory_space<hbm>>
      %dma_wait3A_60 = tpu.memref_squeeze %dma_wait3A_59 : memref<1x40960xf32, #tpu.memory_space<hbm>> -> memref<40960xf32, #tpu.memory_space<hbm>>
      tpu.wait_dma2 semaphore(%run_scoped3A : memref<!tpu.dma_semaphore, #tpu.memory_space<semaphore_mem>>) src(%arg6 : memref<40960xf32, #tpu.memory_space<vmem>>) dst(%dma_wait3A_60 : memref<40960xf32, #tpu.memory_space<hbm>>)
      tpu.yield
    }) : () -> ()
    return
  }
}

module attributes {stable_mosaic.version = 14 : i64} {
  func.func @_tables_body(%arg0: memref<10000x128xf32, #tpu.memory_space<vmem>>, %arg1: memref<128x128xf32, #tpu.memory_space<vmem>>, %arg2: memref<128x128xf32, #tpu.memory_space<vmem>>, %arg3: memref<10000x128xf32, #tpu.memory_space<vmem>>, %arg4: memref<10000x128xf32, #tpu.memory_space<vmem>>) attributes {dimension_semantics = [], scalar_prefetch = 0 : i64, scratch_operands = 0 : i64, tpu.core_type = #tpu.core_type<tc>} {
    %get3A = arith.constant 0 : index
    %get3A_0 = arith.constant 0 : index
    %get3A_1 = vector.load %arg0[%get3A, %get3A_0] : memref<10000x128xf32, #tpu.memory_space<vmem>>, vector<10000x128xf32>
    %get3A_2 = arith.constant 0 : index
    %get3A_3 = arith.constant 0 : index
    %get3A_4 = vector.load %arg1[%get3A_2, %get3A_3] : memref<128x128xf32, #tpu.memory_space<vmem>>, vector<128x128xf32>
    %dot_general3A = arith.constant dense<0.000000e+00> : vector<10000x128xf32>
    %dot_general3A_5 = tpu.matmul %get3A_1, %get3A_4, %dot_general3A {dimension_numbers = #tpu.dot_dimension_numbers<[1], [0], [0], [1], [0, 0, 1, 1], [], []>, transpose_lhs_hint = false} : vector<10000x128xf32>, vector<128x128xf32>, vector<10000x128xf32> -> vector<10000x128xf32>
    %swap3A = arith.constant 0 : index
    %swap3A_6 = arith.constant 0 : index
    %swap3A_7 = vector.load %arg3[%swap3A, %swap3A_6] : memref<10000x128xf32, #tpu.memory_space<vmem>>, vector<10000x128xf32>
    tpu.vector_store %arg3[%swap3A, %swap3A_6], %dot_general3A_5 {strides = array<i32>} : memref<10000x128xf32, #tpu.memory_space<vmem>>, vector<10000x128xf32>,
    %get3A_8 = arith.constant 0 : index
    %get3A_9 = arith.constant 0 : index
    %get3A_10 = vector.load %arg2[%get3A_8, %get3A_9] : memref<128x128xf32, #tpu.memory_space<vmem>>, vector<128x128xf32>
    %dot_general3A_11 = arith.constant dense<0.000000e+00> : vector<10000x128xf32>
    %dot_general3A_12 = tpu.matmul %get3A_1, %get3A_10, %dot_general3A_11 {dimension_numbers = #tpu.dot_dimension_numbers<[1], [0], [0], [1], [0, 0, 1, 1], [], []>, transpose_lhs_hint = false} : vector<10000x128xf32>, vector<128x128xf32>, vector<10000x128xf32> -> vector<10000x128xf32>
    %swap3A_13 = arith.constant 0 : index
    %swap3A_14 = arith.constant 0 : index
    %swap3A_15 = vector.load %arg4[%swap3A_13, %swap3A_14] : memref<10000x128xf32, #tpu.memory_space<vmem>>, vector<10000x128xf32>
    tpu.vector_store %arg4[%swap3A_13, %swap3A_14], %dot_general3A_12 {strides = array<i32>} : memref<10000x128xf32, #tpu.memory_space<vmem>>, vector<10000x128xf32>,
    return
  }
}

module attributes {stable_mosaic.version = 14 : i64} {
  func.func @_mlp_body(%arg0: i32, %arg1: memref<2048x128xf32, #tpu.memory_space<vmem>>, %arg2: memref<2048x128xf32, #tpu.memory_space<vmem>>, %arg3: memref<2048x4xf32, #tpu.memory_space<vmem>>, %arg4: memref<2048x4xf32, #tpu.memory_space<vmem>>, %arg5: memref<2048x1xf32, #tpu.memory_space<vmem>>, %arg6: memref<4x128xf32, #tpu.memory_space<vmem>>, %arg7: memref<1x128xf32, #tpu.memory_space<vmem>>, %arg8: memref<128x128xf32, #tpu.memory_space<vmem>>, %arg9: memref<1x128xf32, #tpu.memory_space<vmem>>, %arg10: memref<128x1xf32, #tpu.memory_space<vmem>>, %arg11: memref<2048x4xf32, #tpu.memory_space<vmem>>) attributes {dimension_semantics = [#tpu.dimension_semantics<arbitrary>], iteration_bounds = array<i64: 160>, scalar_prefetch = 0 : i64, scratch_operands = 0 : i64, tpu.core_type = #tpu.core_type<tc>, window_params = [{transform_indices = @transform_0, window_bounds = array<i64: 2048, 128>}, {transform_indices = @transform_1, window_bounds = array<i64: 2048, 128>}, {transform_indices = @transform_2, window_bounds = array<i64: 2048, 4>}, {transform_indices = @transform_3, window_bounds = array<i64: 2048, 4>}, {transform_indices = @transform_4, window_bounds = array<i64: 2048, 1>}, {pipeline_mode = #tpu.pipeline_mode<synchronous>, transform_indices = @transform_5, window_bounds = array<i64: 4, 128>}, {pipeline_mode = #tpu.pipeline_mode<synchronous>, transform_indices = @transform_6, window_bounds = array<i64: 1, 128>}, {pipeline_mode = #tpu.pipeline_mode<synchronous>, transform_indices = @transform_7, window_bounds = array<i64: 128, 128>}, {pipeline_mode = #tpu.pipeline_mode<synchronous>, transform_indices = @transform_8, window_bounds = array<i64: 1, 128>}, {pipeline_mode = #tpu.pipeline_mode<synchronous>, transform_indices = @transform_9, window_bounds = array<i64: 128, 1>}, {transform_indices = @transform_10, window_bounds = array<i64: 2048, 4>}]} {
    %get3A = arith.constant 0 : index
    %get3A_0 = arith.constant 0 : index
    %get3A_1 = vector.load %arg1[%get3A, %get3A_0] : memref<2048x128xf32, #tpu.memory_space<vmem>>, vector<2048x128xf32>
    %get3A_2 = arith.constant 0 : index
    %get3A_3 = arith.constant 0 : index
    %get3A_4 = vector.load %arg2[%get3A_2, %get3A_3] : memref<2048x128xf32, #tpu.memory_space<vmem>>, vector<2048x128xf32>
    %add3A = arith.addf %get3A_1, %get3A_4 : vector<2048x128xf32>
    %get3A_5 = arith.constant 0 : index
    %get3A_6 = arith.constant 0 : index
    %get3A_7 = vector.load %arg7[%get3A_5, %get3A_6] : memref<1x128xf32, #tpu.memory_space<vmem>>, vector<1x128xf32>
    %add3A_8 = vector.broadcast %get3A_7 : vector<1x128xf32> to vector<2048x128xf32>
    %add3A_9 = arith.addf %add3A, %add3A_8 : vector<2048x128xf32>
    %get3A_10 = arith.constant 0 : index
    %get3A_11 = arith.constant 0 : index
    %get3A_12 = vector.load %arg3[%get3A_10, %get3A_11] : memref<2048x4xf32, #tpu.memory_space<vmem>>, vector<2048x4xf32>
    %get3A_13 = arith.constant 0 : index
    %get3A_14 = arith.constant 0 : index
    %get3A_15 = vector.load %arg6[%get3A_13, %get3A_14] : memref<4x128xf32, #tpu.memory_space<vmem>>, vector<4x128xf32>
    %dot_general3A = arith.constant dense<0.000000e+00> : vector<2048x128xf32>
    %dot_general3A_16 = tpu.matmul %get3A_12, %get3A_15, %dot_general3A {dimension_numbers = #tpu.dot_dimension_numbers<[1], [0], [0], [1], [0, 0, 1, 1], [], []>, transpose_lhs_hint = false} : vector<2048x4xf32>, vector<4x128xf32>, vector<2048x128xf32> -> vector<2048x128xf32>
    %add3A_17 = arith.addf %add3A_9, %dot_general3A_16 : vector<2048x128xf32>
    %logistic3A = arith.negf %add3A_17 : vector<2048x128xf32>
    %logistic3A_18 = math.exp %logistic3A : vector<2048x128xf32>
    %logistic3A_19 = arith.constant 1.000000e+00 : f32
    %logistic3A_20 = vector.broadcast %logistic3A_19 : f32 to vector<2048x128xf32>
    %logistic3A_21 = arith.addf %logistic3A_20, %logistic3A_18 : vector<2048x128xf32>
    %logistic3A_22 = arith.divf %logistic3A_20, %logistic3A_21 : vector<2048x128xf32>
    %mul3A = arith.mulf %add3A_17, %logistic3A_22 : vector<2048x128xf32>
    %get3A_23 = arith.constant 0 : index
    %get3A_24 = arith.constant 0 : index
    %get3A_25 = vector.load %arg8[%get3A_23, %get3A_24] : memref<128x128xf32, #tpu.memory_space<vmem>>, vector<128x128xf32>
    %dot_general3A_26 = arith.constant dense<0.000000e+00> : vector<2048x128xf32>
    %dot_general3A_27 = tpu.matmul %mul3A, %get3A_25, %dot_general3A_26 {dimension_numbers = #tpu.dot_dimension_numbers<[1], [0], [0], [1], [0, 0, 1, 1], [], []>, transpose_lhs_hint = false} : vector<2048x128xf32>, vector<128x128xf32>, vector<2048x128xf32> -> vector<2048x128xf32>
    %get3A_28 = arith.constant 0 : index
    %get3A_29 = arith.constant 0 : index
    %get3A_30 = vector.load %arg9[%get3A_28, %get3A_29] : memref<1x128xf32, #tpu.memory_space<vmem>>, vector<1x128xf32>
    %add3A_31 = vector.broadcast %get3A_30 : vector<1x128xf32> to vector<2048x128xf32>
    %add3A_32 = arith.addf %dot_general3A_27, %add3A_31 : vector<2048x128xf32>
    %logistic3A_33 = arith.negf %add3A_32 : vector<2048x128xf32>
    %logistic3A_34 = math.exp %logistic3A_33 : vector<2048x128xf32>
    %logistic3A_35 = arith.constant 1.000000e+00 : f32
    %logistic3A_36 = vector.broadcast %logistic3A_35 : f32 to vector<2048x128xf32>
    %logistic3A_37 = arith.addf %logistic3A_36, %logistic3A_34 : vector<2048x128xf32>
    %logistic3A_38 = arith.divf %logistic3A_36, %logistic3A_37 : vector<2048x128xf32>
    %mul3A_39 = arith.mulf %add3A_32, %logistic3A_38 : vector<2048x128xf32>
    %get3A_40 = arith.constant 0 : index
    %get3A_41 = arith.constant 0 : index
    %get3A_42 = vector.load %arg10[%get3A_40, %get3A_41] : memref<128x1xf32, #tpu.memory_space<vmem>>, vector<128x1xf32>
    %dot_general3A_43 = arith.constant dense<0.000000e+00> : vector<2048x1xf32>
    %dot_general3A_44 = tpu.matmul %mul3A_39, %get3A_42, %dot_general3A_43 {dimension_numbers = #tpu.dot_dimension_numbers<[1], [0], [0], [1], [0, 0, 1, 1], [], []>, transpose_lhs_hint = false} : vector<2048x128xf32>, vector<128x1xf32>, vector<2048x1xf32> -> vector<2048x1xf32>
    %get3A_45 = arith.constant 0 : index
    %get3A_46 = arith.constant 0 : index
    %get3A_47 = vector.load %arg4[%get3A_45, %get3A_46] : memref<2048x4xf32, #tpu.memory_space<vmem>>, vector<2048x4xf32>
    %mul3A_48 = arith.constant 0.00999999977 : f32
    %mul3A_49 = vector.broadcast %mul3A_48 : f32 to vector<2048x1xf32>
    %mul3A_50 = arith.mulf %dot_general3A_44, %mul3A_49 : vector<2048x1xf32>
    %mul3A_51 = vector.broadcast %mul3A_50 : vector<2048x1xf32> to vector<2048x4xf32>
    %mul3A_52 = arith.mulf %get3A_47, %mul3A_51 : vector<2048x4xf32>
    %get3A_53 = arith.constant 0 : index
    %get3A_54 = arith.constant 0 : index
    %get3A_55 = vector.load %arg5[%get3A_53, %get3A_54] : memref<2048x1xf32, #tpu.memory_space<vmem>>, vector<2048x1xf32>
    %mul3A_56 = vector.broadcast %get3A_55 : vector<2048x1xf32> to vector<2048x4xf32>
    %mul3A_57 = arith.mulf %mul3A_52, %mul3A_56 : vector<2048x4xf32>
    %swap3A = arith.constant 0 : index
    %swap3A_58 = arith.constant 0 : index
    %swap3A_59 = vector.load %arg11[%swap3A, %swap3A_58] : memref<2048x4xf32, #tpu.memory_space<vmem>>, vector<2048x4xf32>
    tpu.vector_store %arg11[%swap3A, %swap3A_58], %mul3A_57 {strides = array<i32>} : memref<2048x4xf32, #tpu.memory_space<vmem>>, vector<2048x4xf32>,
    return
  }
  func.func @transform_0(%arg0: i32) -> (i32, i32) {
    %c0_i32 = arith.constant 0 : i32
    %c0_i32_0 = arith.constant 0 : i32
    return %arg0, %c0_i32 : i32, i32
  }
  func.func @transform_1(%arg0: i32) -> (i32, i32) {
    %c0_i32 = arith.constant 0 : i32
    %c0_i32_0 = arith.constant 0 : i32
    return %arg0, %c0_i32 : i32, i32
  }
  func.func @transform_2(%arg0: i32) -> (i32, i32) {
    %c0_i32 = arith.constant 0 : i32
    %c0_i32_0 = arith.constant 0 : i32
    return %arg0, %c0_i32 : i32, i32
  }
  func.func @transform_3(%arg0: i32) -> (i32, i32) {
    %c0_i32 = arith.constant 0 : i32
    %c0_i32_0 = arith.constant 0 : i32
    return %arg0, %c0_i32 : i32, i32
  }
  func.func @transform_4(%arg0: i32) -> (i32, i32) {
    %c0_i32 = arith.constant 0 : i32
    %c0_i32_0 = arith.constant 0 : i32
    return %arg0, %c0_i32 : i32, i32
  }
  func.func @transform_5(%arg0: i32) -> (i32, i32) {
    %c0_i32 = arith.constant 0 : i32
    %c0_i32_0 = arith.constant 0 : i32
    %c0_i32_1 = arith.constant 0 : i32
    return %c0_i32, %c0_i32_0 : i32, i32
  }
  func.func @transform_6(%arg0: i32) -> (i32, i32) {
    %c0_i32 = arith.constant 0 : i32
    %c0_i32_0 = arith.constant 0 : i32
    %c0_i32_1 = arith.constant 0 : i32
    return %c0_i32, %c0_i32_0 : i32, i32
  }
  func.func @transform_7(%arg0: i32) -> (i32, i32) {
    %c0_i32 = arith.constant 0 : i32
    %c0_i32_0 = arith.constant 0 : i32
    %c0_i32_1 = arith.constant 0 : i32
    return %c0_i32, %c0_i32_0 : i32, i32
  }
  func.func @transform_8(%arg0: i32) -> (i32, i32) {
    %c0_i32 = arith.constant 0 : i32
    %c0_i32_0 = arith.constant 0 : i32
    %c0_i32_1 = arith.constant 0 : i32
    return %c0_i32, %c0_i32_0 : i32, i32
  }
  func.func @transform_9(%arg0: i32) -> (i32, i32) {
    %c0_i32 = arith.constant 0 : i32
    %c0_i32_0 = arith.constant 0 : i32
    %c0_i32_1 = arith.constant 0 : i32
    return %c0_i32, %c0_i32_0 : i32, i32
  }
  func.func @transform_10(%arg0: i32) -> (i32, i32) {
    %c0_i32 = arith.constant 0 : i32
    %c0_i32_0 = arith.constant 0 : i32
    return %arg0, %c0_i32 : i32, i32
  }
}

module attributes {stable_mosaic.version = 14 : i64} {
  func.func @_combine_body(%arg0: memref<32x320x128xf32, #tpu.memory_space<vmem>>, %arg1: memref<320x128xf32, #tpu.memory_space<vmem>>, %arg2: memref<320x128xf32, #tpu.memory_space<vmem>>, %arg3: memref<320x128xf32, #tpu.memory_space<vmem>>) attributes {dimension_semantics = [], scalar_prefetch = 0 : i64, scratch_operands = 0 : i64, tpu.core_type = #tpu.core_type<tc>} {
    %get3A = arith.constant 0 : index
    %get3A_0 = arith.constant 0 : index
    %get3A_1 = vector.load %arg1[%get3A, %get3A_0] : memref<320x128xf32, #tpu.memory_space<vmem>>, vector<320x128xf32>
    %get3A_2 = arith.constant 0 : index
    %get3A_3 = arith.constant 0 : index
    %get3A_4 = arith.constant 0 : index
    %get3A_5 = vector.load %arg0[%get3A_2, %get3A_3, %get3A_4] : memref<32x320x128xf32, #tpu.memory_space<vmem>>, vector<32x320x128xf32>
    %reduce_sum3A = arith.constant dense<0.000000e+00> : vector<320x128xf32>
    %reduce_sum3A_6 = vector.multi_reduction <add>, %get3A_5, %reduce_sum3A [0] : vector<32x320x128xf32> to vector<320x128xf32>
    %add3A = arith.addf %get3A_1, %reduce_sum3A_6 : vector<320x128xf32>
    %get3A_7 = arith.constant 0 : index
    %get3A_8 = arith.constant 0 : index
    %get3A_9 = vector.load %arg2[%get3A_7, %get3A_8] : memref<320x128xf32, #tpu.memory_space<vmem>>, vector<320x128xf32>
    %mul3A = arith.mulf %add3A, %get3A_9 : vector<320x128xf32>
    %swap3A = arith.constant 0 : index
    %swap3A_10 = arith.constant 0 : index
    %swap3A_11 = vector.load %arg3[%swap3A, %swap3A_10] : memref<320x128xf32, #tpu.memory_space<vmem>>, vector<320x128xf32>
    tpu.vector_store %arg3[%swap3A, %swap3A_10], %mul3A {strides = array<i32>} : memref<320x128xf32, #tpu.memory_space<vmem>>, vector<320x128xf32>,
    return
  }
}

</mosaic_0001>

<sc_bundles>
// kernel: kernel.10.cloned.1.call-start
scs
__scs_entry_jumppad:
0x0: {  	(pc) =	sbr.rel $0x88, $3  }
0x1: {  	(tag) =	ssettag $0x0;
	lr =	simm.s32 $0x1  }
0x2: {  	[smem:$0x3F95] =	sst lr;
	_ =	strace $0xD0000000  }
0x3: {  	_ = 	snop  }
0x4: {  	_ = 	snop  }
0x5: {  	_ = 	snop  }
0x6: {  	_ = 	snop  }
0x7: {  	_ = 	snop  }
__scs_overlays_trampoline_lowered:
0x8: {  	[smem:$0x3FA4] =	sst s0  }
0x9: {  	[smem:$0x3FA5] =	sst s1  }
0xa: {  	[smem:$0x3FA6] =	sst s2  }
0xb: {  	[smem:$0x3FA7] =	sst s3  }
0xc: {  	[smem:$0x3FA8] =	sst s4  }
0xd: {  	[smem:$0x3FA9] =	sst s5  }
0xe: {  	[smem:$0x3FAA] =	sst s6  }
0xf: {  	[smem:$0x3FAB] =	sst s7  }
0x10: {  	[smem:$0x3FAC] =	sst s8  }
0x11: {  	[smem:$0x3FAD] =	sst s9;
	s0 =	simm.s32 @!p0 $0x0  }
0x12: {  	s1 =	sld [smem:$0x3F93];
	s0 =	simm.s32 @p0 $0x1  }
0x13: {  	[smem:$0x3FAE] =	sst s0;
	s0 =	simm.s32 @!p1 $0x0  }
0x14: {  	s2 =	sld [smem:$0x3F92];
	s0 =	simm.s32 @p1 $0x1  }
0x15: {  	[smem:$0x3FAF] =	sst s0;
	s0 =	simm.s32 @!p2 $0x0  }
0x16: {  	s3 =	sld [smem:$0x3FDB];
	s0 =	simm.s32 @p2 $0x1  }
0x17: {  	s4 =	simm.s32 $0x1BF5;
	[smem:$0x3FB1] =	sst s0  }
0x18: {  	s0 =	sld [smem:$0x3F94];
	_ =	swait.ge [sflag:s4], $0x0  }
0x19: {  	s7 =	sld [smem:$0x3F95]  }
0x1a: {  	s8 =	sadd.s32 $0xFFFFE003, lr  }
0x1b: {  	s9 =	sadd.s32 $0xFFFFFEF7, lr;
	s5 =	simm.s32 $0xFFFFFFFF;
	p2 =	slt.u32 s8, $0xFFFFF086  }
0x1c: {  	p1 =	slt.u32 s9, $0xF7A;
	s5 =	simm.s32 @!p2 $0x0  }
0x1d: {  	s5 =	simm.s32 @p1 $0x1;
	p0 =	seq.s32 s7, s2  }
0x1e: {  	s7 =	smul.u32 @!p0 $0xF7A, s2;
	p2 =	seq.s32 @!p0 s5, $0x0  }
0x1f: {  	s9 =	smul.u32 $0xF7A, s1;
	s8 =	simm.s32 @!p0 $0x1BF5;
	p2 =	por !p2, p0  }
0x20: {  	[sflag:s8] =	ssyncset.s32 @!p0 $0xFFFFF086;
	s6 =	sadd.s32 @!p0 s3, s7;
	s7 =	simm.s32 @!p0 $0x108  }
0x21: {  	s3 =	sadd.s32 s3, s9;
	s6 =	sadd.s32 @!p0 $0x88, s6;
	s7 =	simm.s32 @p2 $0x1082  }
0x22: {  	[simem:s7], [sflag:s8] =	dma.local @!p0 [hbm:s6], $0xF7A  }
0x23: {  	s9 =	sor.u32 $0xD0000000, s2;
	s6 =	simm.s32 $0x108;
	_ =	swait.ge @!p0 [sflag:s8], $0x0  }
0x24: {  	s3 =	sadd.s32 $0x88, s3;
	s6 =	simm.s32 @!p1 $0x1082;
	[sflag:s4] =	ssyncset.s32 $0xFFFFF086  }
0x25: {  	[simem:s6], [sflag:s4] =	dma.local [hbm:s3], $0xF7A  }
0x26: {  	[smem:$0x3F95] =	sst s1;
	(tag) =	ssettag s2;
	_ =	strace s9  }
0x27: {  	s1 =	sld [smem:$0x3FA5]  }
0x28: {  	s2 =	sld [smem:$0x3FA6]  }
0x29: {  	s4 =	sld [smem:$0x3FA8]  }
0x2a: {  	p0 =	seq.s32 s5, $0x0;
	s5 =	sld [smem:$0x3FA9]  }
0x2b: {  	s6 =	sld [smem:$0x3FAA]  }
0x2c: {  	s7 =	sld [smem:$0x3FAB]  }
0x2d: {  	s3 =	simm.s32 $0x108;
	s8 =	sld [smem:$0x3FAC]  }
0x2e: {  	s3 =	simm.s32 @!p0 $0x1082;
	s9 =	sld [smem:$0x3FAD]  }
0x2f: {  	lr =	sadd.s32 s0, s3;
	s0 =	sld [smem:$0x3FA4]  }
0x30: {  	s3 =	sld [smem:$0x3FA7]  }
0x31: {  	[smem:$0x3FB0] =	sst s10  }
0x32: {  	s10 =	sld [smem:$0x3FAE];
	_ =	sdelay $0x3  }
0x33: {  	p0 =	seq.s32 s10, $0x1;
	s10 =	sld [smem:$0x3FB0];
	_ =	sdelay $0x3  }
0x34: {  	[smem:$0x3FB0] =	sst s10  }
0x35: {  	s10 =	sld [smem:$0x3FAF];
	_ =	sdelay $0x3  }
0x36: {  	p1 =	seq.s32 s10, $0x1;
	s10 =	sld [smem:$0x3FB0];
	_ =	sdelay $0x3  }
0x37: {  	[smem:$0x3FB0] =	sst s10  }
0x38: {  	s10 =	sld [smem:$0x3FB1]  }
0x39: {  	_ = 	snop;
	(pc) =	sbr.ind lr, $3  }
0x3a: {  	_ = 	snop  }
0x3b: {  	_ = 	snop  }
0x3c: {  	p2 =	seq.s32 s10, $0x1;
	s10 =	sld [smem:$0x3FB0]  }
0x3d: {  	_ =	shalt  }
0x3e: {  	_ =	shalt  }
0x3f: {  	_ =	shalt  }
0x40: {  	_ =	shalt  }
0x41: {  	_ =	shalt  }
0x42: {  	_ =	shalt  }
0x43: {  	_ =	shalt  }
0x44: {  	_ =	shalt  }
0x45: {  	_ =	shalt  }
0x46: {  	_ =	shalt  }
0x47: {  	_ =	shalt  }
0x48: {  	_ =	shalt  }
0x49: {  	_ =	shalt  }
0x4a: {  	_ =	shalt  }
0x4b: {  	_ =	shalt  }
0x4c: {  	_ =	shalt  }
0x4d: {  	_ =	shalt  }
0x4e: {  	_ =	shalt  }
0x4f: {  	_ =	shalt  }
0x50: {  	_ =	shalt  }
0x51: {  	_ =	shalt  }
0x52: {  	_ =	shalt  }
0x53: {  	_ =	shalt  }
0x54: {  	_ =	shalt  }
0x55: {  	_ =	shalt  }
0x56: {  	_ =	shalt  }
0x57: {  	_ =	shalt  }
0x58: {  	_ =	shalt  }
0x59: {  	_ =	shalt  }
0x5a: {  	_ =	shalt  }
0x5b: {  	_ =	shalt  }
0x5c: {  	_ =	shalt  }
0x5d: {  	_ =	shalt  }
0x5e: {  	_ =	shalt  }
0x5f: {  	_ =	shalt  }
0x60: {  	_ =	shalt  }
0x61: {  	_ =	shalt  }
0x62: {  	_ =	shalt  }
0x63: {  	_ =	shalt  }
0x64: {  	_ =	shalt  }
0x65: {  	_ =	shalt  }
0x66: {  	_ =	shalt  }
0x67: {  	_ =	shalt  }
0x68: {  	_ =	shalt  }
0x69: {  	_ =	shalt  }
0x6a: {  	_ =	shalt  }
0x6b: {  	_ =	shalt  }
0x6c: {  	_ =	shalt  }
0x6d: {  	_ =	shalt  }
0x6e: {  	_ =	shalt  }
0x6f: {  	_ =	shalt  }
0x70: {  	_ =	shalt  }
0x71: {  	_ =	shalt  }
0x72: {  	_ =	shalt  }
0x73: {  	_ =	shalt  }
0x74: {  	_ =	shalt  }
0x75: {  	_ =	shalt  }
0x76: {  	_ =	shalt  }
0x77: {  	_ =	shalt  }
0x78: {  	_ =	shalt  }
0x79: {  	_ =	shalt  }
0x7a: {  	_ =	shalt  }
0x7b: {  	_ =	shalt  }
0x7c: {  	_ =	shalt  }
0x7d: {  	_ =	shalt  }
0x7e: {  	_ =	shalt  }
0x7f: {  	_ =	shalt  }
0x80: {  	_ =	shalt  }
0x81: {  	_ =	shalt  }
0x82: {  	_ =	shalt  }
0x83: {  	_ =	shalt  }
0x84: {  	_ =	shalt  }
0x85: {  	_ =	shalt  }
0x86: {  	_ =	shalt  }
0x87: {  	_ =	shalt  }
.Lfunc_end0:
.L_simem_size_0:
called_computation.1_lowered:
.L_overlay_start_0:
0x88: {  	s2 =	sld [smem:$0x3FD9]  }
0x89: {  	s3 =	sld [smem:$0x3FFE];
	_ =	sdelay $0x1  }
0x8a: {  	s1 =	srdreg.scid  }
0x8b: {  	s0 =	sand.u32 $0x1, s1  }
0x8c: {  	s16 =	sshll.u32 s0, $0xA;
	s2 =	sadd.s32 s3, s2  }
0x8d: {  	s2 =	sadd.s32 s2, s16  }
0x8e: {  	[smem:$0x3FBC] =	sst s2  }
0x8f: {  	_ = 	snop  }
0x90: {  	(tm) =	ssettm $0x1  }
0x91: {  	s17 =	sld [smem:$0x3FFB];
	_ =	sdelay $0x3  }
0x92: {  	_ =	strace s17  }
0x93: {  	s2 =	sld [smem:$0x3FFC];
	_ =	sdelay $0x3  }
0x94: {  	_ =	strace s2  }
0x95: {  	s2 =	sld [smem:$0x3FFD];
	_ =	sdelay $0x3  }
0x96: {  	_ =	strace s2  }
0x97: {  	_ =	strace $0x8FFFFFFF  }
0x98: {  	s18 =	sld [smem:$0x3FDB];
	_ =	sdelay $0x1  }
0x99: {  	s19 =	simm.s32 $_scs_section_size  }
0x9a: {  	s4 =	simm.s32 $_size__tile_overlayer_lowered;
	s5 =	simm.s32 $_tile_overlayer_lowered  }
0x9b: {  	s22 =	simm.s32 $0x1BFF;
	s21 =	sshll.u32 s5, $0x1;
	s2 =	sadd.s32 s19, s18  }
0x9c: {  	s6 =	simm.s32 $0x0;
	s20 =	sshll.u32 s4, $0x1;
	s4 =	sadd.s32 s21, s2  }
0x9d: {  	[timem:s6], [sflag:s22] =	dma.local [hbm:s4], s20  }
0x9e: {  	_ =	swait.ge [sflag:s22], s20  }
0x9f: {  	s3 =	ssub.s32 $0x0, s20;
	[sflag:s22] =	ssyncset.done $0x0  }
0xa0: {  	[sflag:s22] =	ssyncadd.s32 s3;
	_ =	sdelay $0x1  }
0xa1: {  	s23 =	simm.s32 $0x1B8B  }
0xa2: {  	_ =	swait.ge [sflag:s23], $0x1  }
0xa3: {  	[sflag:s23] =	ssyncset.done $0x0  }
0xa4: {  	s25 =	simm.s32 $0x1B8E;
	s24 =	sld [smem:$0x3FFE];
	[sflag:s23] =	ssyncadd.s32 $0xFFFFFFFF  }
0xa5: {  	s26 =	simm.s32 $execute0_lowered;
	[smem:$0x3FD2] =	sst s25  }
0xa6: {  	s4 =	sshll.u32 s26, $0x1;
	_ =	strace $0x80000054;
	[dreg:$0x1] =	wrdreg $0xFFFFFFFF  }
0xa7: {  	s28 =	simm.s32 $_size_execute0_lowered;
	s2 =	sadd.s32 s2, s4;
	[dreg:$0x0] =	wrdreg $0x0  }
0xa8: {  	s4 =	sshll.u32 s28, $0x1;
	[dreg:$0x2] =	wrdreg s2  }
0xa9: {  	[dreg:$0x3] =	wrdreg s4  }
0xaa: {  	[dreg:$0x4] =	wrdreg $0xC0  }
0xab: {  	_ =	task [dreg:s6], $0x5FFFF  }
0xac: {  	[dreg:$0x1] =	wrdreg $0xFFFFFFFF  }
0xad: {  	[dreg:$0x0] =	wrdreg $0x60  }
0xae: {  	[dreg:$0x2] =	wrdreg s24  }
0xaf: {  	[dreg:$0x3] =	wrdreg $0x9  }
0xb0: {  	_ =	task.clear_ibuf [dreg:s6], $0x4FFFF;
	_ =	strace $0x90000054  }
0xb1: {  	s29 =	simm.s32 $0x9;
	_ =	strace $0x80000056  }
0xb2: {  	_ =	swait.ge [sflag:s29], $0x1  }
0xb3: {  	[sflag:s29] =	ssyncadd.s32 $0xFFFFFFFF  }
0xb4: {  	_ =	strace $0x90000056  }
0xb5: {  	_ =	sfence  }
0xb6: {  	s30 =	sld [smem:$0x0];
	_ =	sdelay $0x2  }
0xb7: {  	s31 =	sshll.u32 s1, $0xD;
	s1 =	sshrl.u32 s1, $0x2  }
0xb8: {  	s3 =	sand.u32 $0x4000, s31;
	s1 =	sadd.s32 s1, s30  }
0xb9: {  	s0 =	sor.u32 s3, s0;
	s1 =	sshll.u32 s1, $0x11  }
0xba: {  	s0 =	sor.u32 s1, s0  }
0xbb: {  	s0 =	sadd.s32 $0x8F2B, s0  }
0xbc: {  	[sflag:s0] =	ssyncadd.remote.s32 $0x1  }
0xbd: {  	_ =	sfence.sel $0xFFFF  }
0xbe: {  	[dreg:$0x0] =	wrdreg $0xFFFFFFFF;
	(pc) =	sbr.abs _section_cstart, $3  }
0xbf: {  	[dreg:$0x1] =	wrdreg $0xFFFFFFFF  }
0xc0: {  	_ =	task.clear_ibuf [dreg:s6], $0x2FFFF;
	_ =	strace $0x9FFFFFFF  }
0xc1: {  	(tm) =	ssettm $0x7FFFFFFF  }
tec
execute0_lowered:
.L_overlay_start_1:
0x0: {  	(tag) =	ssettag $0x1  }
0x1: {  	s0 =	srdreg.scid;
	v1 =	vlaneseq.u32;
	s5 =	rddreg [dreg:$0x0]  }
0x2: {  	s2 =	simm.s32 $0x0;
	s10 =	simm.s32 $0xA080;
	s11 =	simm.s32 $0x80;
	v0 =	vshrl.u32 v1, $0x2  }
0x3: {  	s12 =	simm.s32 $0x400;
	s3 =	sand.u32 $0x1, s0;
	s0 =	stileid.u32;
	v1 =	vand.u32 $0x3, v1;
	v2 =	vor.u32 $0x4, v0  }
0x4: {  	s13 =	simm.s32 $0x0;
	[smem:$0x7FF] =	sst s2;
	s4 =	smul.u32 $0x28000, s3;
	v3 =	vor.u32 $0x8, v0;
	v4 =	vor.u32 $0xC, v0;
	v5 =	vor.u32 $0x10, v0  }
0x5: {  	s1 =	sshll.u32 s3, $0x4;
	s6 =	smul.u32 $0x2800, s0;
	s26 =	sshll.u32 s0, $0x7;
	v6 =	vor.u32 $0x14, v0;
	v7 =	vor.u32 $0x18, v0;
	v8 =	vor.u32 $0x1C, v0  }
0x6: {  	v9 =	vor.u32 $0x20, v0;
	v10 =	vor.u32 $0x24, v0;
	v11 =	vor.u32 $0x28, v0;
	s28 =	ssub.s32 $0x2, s3;
	s3 =	sadd.s32 $0x34E00, s5;
	s7 =	sor.u32 s0, s1  }
0x7: {  	v12 =	vor.u32 $0x2C, v0;
	v13 =	vor.u32 $0x30, v0;
	v14 =	vor.u32 $0x34, v0;
	s1 =	rddreg [dreg:$0x1];
	_ =	strace $0x80000055;
	s7 =	sshrl.u32 s7, $0x3  }
0x8: {  	v15 =	vor.u32 $0x38, v0;
	v16 =	vor.u32 $0x3C, v0;
	v17 =	vor.u32 $0x40, v0;
	s30 =	sshrl.u32 s28, $0x1;
	s4 =	sadd.s32 s6, s4;
	s25 =	smul.u32 $0x50000, s7  }
0x9: {  	v18 =	vor.u32 $0x44, v0;
	v19 =	vor.u32 $0x48, v0;
	v20 =	vor.u32 $0x4C, v0;
	s31 =	ssub.s32 s28, s30;
	s8 =	sshrl.u32 s4, $0x3;
	s7 =	sand.u32 $0x380, s26  }
0xa: {  	v21 =	vor.u32 $0x50, v0;
	v22 =	vor.u32 $0x54, v0;
	v23 =	vor.u32 $0x58, v0;
	s4 =	sshrl.u32 s4, $0x1;
	s8 =	sadd.s32 s8, s5;
	s6 =	sor.u32 s7, s25  }
0xb: {  	v24 =	vor.u32 $0x5C, v0;
	v25 =	vor.u32 $0x60, v0;
	v26 =	vor.u32 $0x64, v0;
	s9 =	sadd.s32 s4, s5;
	s7 =	sadd.s32 $0x2E00, s8;
	s6 =	sshrl.u32 s6, $0x3  }
0xc: {  	v27 =	vor.u32 $0x68, v0;
	v28 =	vor.u32 $0x6C, v0;
	v29 =	vor.u32 $0x70, v0;
	s8 =	simm.s32 $0x1;
	s29 =	sadd.s32 s6, s5;
	s5 =	smax.u32 s31, $0x1  }
0xd: {  	v30 =	vor.u32 $0x74, v0;
	v31 =	vor.u32 $0x78, v0;
	v32 =	vor.u32 $0x7C, v0;
	s6 =	sadd.s32 $0xCE00, s9;
	s9 =	simm.s32 $0xA000;
	s4 =	sadd.s32 $0x36200, s29  }
.LBB2_1:
0xe: {  	[tilespmem:s2], [sflag:$0x1] =	stream.linear.gather [hbm4b:s3+s2], $0xA000, $0x38;
	[tilespmem:$0xA280] =	vst v63  }
0xf: {  	_ =	swait.ge [sflag:s8], $0xA000  }
0x10: {  	[sflag:s8] =	ssyncset.done $0x0  }
0x11: {  	s14 =	smov.u32 s6;
	s15 =	simm.s32 $0x0;
	[sflag:s8] =	ssyncadd.s32 $0xFFFF6000  }
.LBB2_2:
0x12: {  	s16 =	sadd.s32 s15, s7  }
0x13: {  	[tilespmem:s9], [sflag:$0x1] =	stream.linear.gather [hbm4b:s16+s2], $0x80, $0x38;
	[tilespmem:$0xA280] =	vst v63  }
0x14: {  	_ =	swait.ge [sflag:s8], $0x80  }
0x15: {  	[sflag:s8] =	ssyncset.done $0x0  }
0x16: {  	[sflag:s8] =	ssyncadd.s32 $0xFFFFFF80  }
0x17: {  	[tilespmem:s10], [sflag:$0x1] =	stream.linear.gather [hbm4b:s14+s2], $0x200, $0x38;
	[tilespmem:$0xA280] =	vst v63  }
0x18: {  	_ =	swait.ge [sflag:s8], $0x200  }
0x19: {  	[sflag:s8] =	ssyncset.done $0x0  }
0x1a: {  	[sflag:s8] =	ssyncadd.s32 $0xFFFFFE00  }
0x1b: {  	v33 =	vld.idx.msk [tilespmem:v0+s9+$0x0], $0xffff;
	_ =	sdelay $0x4  }
0x1c: {  	v33 =	vshll.u32 v33, $0x2  }
0x1d: {  	v34 =	vld [tilespmem:$0xA080];
	v33 =	vor.u32 v1, v33;
	_ =	sdelay $0x4  }
0x1e: {  	[tilespmem:v33+s2+$0x0] =	vst.idx.add.f32.msk $0xffff, v34  }
0x1f: {  	v33 =	vld.idx.msk [tilespmem:v2+s9+$0x0], $0xffff;
	_ =	sdelay $0x4  }
0x20: {  	v33 =	vshll.u32 v33, $0x2  }
0x21: {  	v34 =	vld [tilespmem:$0xA090];
	v33 =	vor.u32 v1, v33;
	_ =	sdelay $0x4  }
0x22: {  	[tilespmem:v33+s2+$0x0] =	vst.idx.add.f32.msk $0xffff, v34  }
0x23: {  	v33 =	vld.idx.msk [tilespmem:v3+s9+$0x0], $0xffff;
	_ =	sdelay $0x4  }
0x24: {  	v33 =	vshll.u32 v33, $0x2  }
0x25: {  	v34 =	vld [tilespmem:$0xA0A0];
	v33 =	vor.u32 v1, v33;
	_ =	sdelay $0x4  }
0x26: {  	[tilespmem:v33+s2+$0x0] =	vst.idx.add.f32.msk $0xffff, v34  }
0x27: {  	v33 =	vld.idx.msk [tilespmem:v4+s9+$0x0], $0xffff;
	_ =	sdelay $0x4  }
0x28: {  	v33 =	vshll.u32 v33, $0x2  }
0x29: {  	v34 =	vld [tilespmem:$0xA0B0];
	v33 =	vor.u32 v1, v33;
	_ =	sdelay $0x4  }
0x2a: {  	[tilespmem:v33+s2+$0x0] =	vst.idx.add.f32.msk $0xffff, v34  }
0x2b: {  	v33 =	vld.idx.msk [tilespmem:v5+s9+$0x0], $0xffff;
	_ =	sdelay $0x4  }
0x2c: {  	v33 =	vshll.u32 v33, $0x2  }
0x2d: {  	v34 =	vld [tilespmem:$0xA0C0];
	v33 =	vor.u32 v1, v33;
	_ =	sdelay $0x4  }
0x2e: {  	[tilespmem:v33+s2+$0x0] =	vst.idx.add.f32.msk $0xffff, v34  }
0x2f: {  	v33 =	vld.idx.msk [tilespmem:v6+s9+$0x0], $0xffff;
	_ =	sdelay $0x4  }
0x30: {  	v33 =	vshll.u32 v33, $0x2  }
0x31: {  	v34 =	vld [tilespmem:$0xA0D0];
	v33 =	vor.u32 v1, v33;
	_ =	sdelay $0x4  }
0x32: {  	[tilespmem:v33+s2+$0x0] =	vst.idx.add.f32.msk $0xffff, v34  }
0x33: {  	v33 =	vld.idx.msk [tilespmem:v7+s9+$0x0], $0xffff;
	_ =	sdelay $0x4  }
0x34: {  	v33 =	vshll.u32 v33, $0x2  }
0x35: {  	v34 =	vld [tilespmem:$0xA0E0];
	v33 =	vor.u32 v1, v33;
	_ =	sdelay $0x4  }
0x36: {  	[tilespmem:v33+s2+$0x0] =	vst.idx.add.f32.msk $0xffff, v34  }
0x37: {  	v33 =	vld.idx.msk [tilespmem:v8+s9+$0x0], $0xffff;
	_ =	sdelay $0x4  }
0x38: {  	v33 =	vshll.u32 v33, $0x2  }
0x39: {  	v34 =	vld [tilespmem:$0xA0F0];
	v33 =	vor.u32 v1, v33;
	_ =	sdelay $0x4  }
0x3a: {  	[tilespmem:v33+s2+$0x0] =	vst.idx.add.f32.msk $0xffff, v34  }
0x3b: {  	v33 =	vld.idx.msk [tilespmem:v9+s9+$0x0], $0xffff;
	_ =	sdelay $0x4  }
0x3c: {  	v33 =	vshll.u32 v33, $0x2  }
0x3d: {  	v34 =	vld [tilespmem:$0xA100];
	v33 =	vor.u32 v1, v33;
	_ =	sdelay $0x4  }
0x3e: {  	[tilespmem:v33+s2+$0x0] =	vst.idx.add.f32.msk $0xffff, v34  }
0x3f: {  	v33 =	vld.idx.msk [tilespmem:v10+s9+$0x0], $0xffff;
	_ =	sdelay $0x4  }
0x40: {  	v33 =	vshll.u32 v33, $0x2  }
0x41: {  	v34 =	vld [tilespmem:$0xA110];
	v33 =	vor.u32 v1, v33;
	_ =	sdelay $0x4  }
0x42: {  	[tilespmem:v33+s2+$0x0] =	vst.idx.add.f32.msk $0xffff, v34  }
0x43: {  	v33 =	vld.idx.msk [tilespmem:v11+s9+$0x0], $0xffff;
	_ =	sdelay $0x4  }
0x44: {  	v33 =	vshll.u32 v33, $0x2  }
0x45: {  	v34 =	vld [tilespmem:$0xA120];
	v33 =	vor.u32 v1, v33;
	_ =	sdelay $0x4  }
0x46: {  	[tilespmem:v33+s2+$0x0] =	vst.idx.add.f32.msk $0xffff, v34  }
0x47: {  	v33 =	vld.idx.msk [tilespmem:v12+s9+$0x0], $0xffff;
	_ =	sdelay $0x4  }
0x48: {  	v33 =	vshll.u32 v33, $0x2  }
0x49: {  	v34 =	vld [tilespmem:$0xA130];
	v33 =	vor.u32 v1, v33;
	_ =	sdelay $0x4  }
0x4a: {  	[tilespmem:v33+s2+$0x0] =	vst.idx.add.f32.msk $0xffff, v34  }
0x4b: {  	v33 =	vld.idx.msk [tilespmem:v13+s9+$0x0], $0xffff;
	_ =	sdelay $0x4  }
0x4c: {  	v33 =	vshll.u32 v33, $0x2  }
0x4d: {  	v34 =	vld [tilespmem:$0xA140];
	v33 =	vor.u32 v1, v33;
	_ =	sdelay $0x4  }
0x4e: {  	[tilespmem:v33+s2+$0x0] =	vst.idx.add.f32.msk $0xffff, v34  }
0x4f: {  	v33 =	vld.idx.msk [tilespmem:v14+s9+$0x0], $0xffff;
	_ =	sdelay $0x4  }
0x50: {  	v33 =	vshll.u32 v33, $0x2  }
0x51: {  	v34 =	vld [tilespmem:$0xA150];
	v33 =	vor.u32 v1, v33;
	_ =	sdelay $0x4  }
0x52: {  	[tilespmem:v33+s2+$0x0] =	vst.idx.add.f32.msk $0xffff, v34  }
0x53: {  	v33 =	vld.idx.msk [tilespmem:v15+s9+$0x0], $0xffff;
	_ =	sdelay $0x4  }
0x54: {  	v33 =	vshll.u32 v33, $0x2  }
0x55: {  	v34 =	vld [tilespmem:$0xA160];
	v33 =	vor.u32 v1, v33;
	_ =	sdelay $0x4  }
0x56: {  	[tilespmem:v33+s2+$0x0] =	vst.idx.add.f32.msk $0xffff, v34  }
0x57: {  	v33 =	vld.idx.msk [tilespmem:v16+s9+$0x0], $0xffff;
	_ =	sdelay $0x4  }
0x58: {  	v33 =	vshll.u32 v33, $0x2  }
0x59: {  	v34 =	vld [tilespmem:$0xA170];
	v33 =	vor.u32 v1, v33;
	_ =	sdelay $0x4  }
0x5a: {  	[tilespmem:v33+s2+$0x0] =	vst.idx.add.f32.msk $0xffff, v34  }
0x5b: {  	v33 =	vld.idx.msk [tilespmem:v17+s9+$0x0], $0xffff;
	_ =	sdelay $0x4  }
0x5c: {  	v33 =	vshll.u32 v33, $0x2  }
0x5d: {  	v34 =	vld [tilespmem:$0xA180];
	v33 =	vor.u32 v1, v33;
	_ =	sdelay $0x4  }
0x5e: {  	[tilespmem:v33+s2+$0x0] =	vst.idx.add.f32.msk $0xffff, v34  }
0x5f: {  	v33 =	vld.idx.msk [tilespmem:v18+s9+$0x0], $0xffff;
	_ =	sdelay $0x4  }
0x60: {  	v33 =	vshll.u32 v33, $0x2  }
0x61: {  	v34 =	vld [tilespmem:$0xA190];
	v33 =	vor.u32 v1, v33;
	_ =	sdelay $0x4  }
0x62: {  	[tilespmem:v33+s2+$0x0] =	vst.idx.add.f32.msk $0xffff, v34  }
0x63: {  	v33 =	vld.idx.msk [tilespmem:v19+s9+$0x0], $0xffff;
	_ =	sdelay $0x4  }
0x64: {  	v33 =	vshll.u32 v33, $0x2  }
0x65: {  	v34 =	vld [tilespmem:$0xA1A0];
	v33 =	vor.u32 v1, v33;
	_ =	sdelay $0x4  }
0x66: {  	[tilespmem:v33+s2+$0x0] =	vst.idx.add.f32.msk $0xffff, v34  }
0x67: {  	v33 =	vld.idx.msk [tilespmem:v20+s9+$0x0], $0xffff;
	_ =	sdelay $0x4  }
0x68: {  	v33 =	vshll.u32 v33, $0x2  }
0x69: {  	v34 =	vld [tilespmem:$0xA1B0];
	v33 =	vor.u32 v1, v33;
	_ =	sdelay $0x4  }
0x6a: {  	[tilespmem:v33+s2+$0x0] =	vst.idx.add.f32.msk $0xffff, v34  }
0x6b: {  	v33 =	vld.idx.msk [tilespmem:v21+s9+$0x0], $0xffff;
	_ =	sdelay $0x4  }
0x6c: {  	v33 =	vshll.u32 v33, $0x2  }
0x6d: {  	v34 =	vld [tilespmem:$0xA1C0];
	v33 =	vor.u32 v1, v33;
	_ =	sdelay $0x4  }
0x6e: {  	[tilespmem:v33+s2+$0x0] =	vst.idx.add.f32.msk $0xffff, v34  }
0x6f: {  	v33 =	vld.idx.msk [tilespmem:v22+s9+$0x0], $0xffff;
	_ =	sdelay $0x4  }
0x70: {  	v33 =	vshll.u32 v33, $0x2  }
0x71: {  	v34 =	vld [tilespmem:$0xA1D0];
	v33 =	vor.u32 v1, v33;
	_ =	sdelay $0x4  }
0x72: {  	[tilespmem:v33+s2+$0x0] =	vst.idx.add.f32.msk $0xffff, v34  }
0x73: {  	v33 =	vld.idx.msk [tilespmem:v23+s9+$0x0], $0xffff;
	_ =	sdelay $0x4  }
0x74: {  	v33 =	vshll.u32 v33, $0x2  }
0x75: {  	v34 =	vld [tilespmem:$0xA1E0];
	v33 =	vor.u32 v1, v33;
	_ =	sdelay $0x4  }
0x76: {  	[tilespmem:v33+s2+$0x0] =	vst.idx.add.f32.msk $0xffff, v34  }
0x77: {  	v33 =	vld.idx.msk [tilespmem:v24+s9+$0x0], $0xffff;
	_ =	sdelay $0x4  }
0x78: {  	v33 =	vshll.u32 v33, $0x2  }
0x79: {  	v34 =	vld [tilespmem:$0xA1F0];
	v33 =	vor.u32 v1, v33;
	_ =	sdelay $0x4  }
0x7a: {  	[tilespmem:v33+s2+$0x0] =	vst.idx.add.f32.msk $0xffff, v34  }
0x7b: {  	v33 =	vld.idx.msk [tilespmem:v25+s9+$0x0], $0xffff;
	_ =	sdelay $0x4  }
0x7c: {  	v33 =	vshll.u32 v33, $0x2  }
0x7d: {  	v34 =	vld [tilespmem:$0xA200];
	v33 =	vor.u32 v1, v33;
	_ =	sdelay $0x4  }
0x7e: {  	[tilespmem:v33+s2+$0x0] =	vst.idx.add.f32.msk $0xffff, v34  }
0x7f: {  	v33 =	vld.idx.msk [tilespmem:v26+s9+$0x0], $0xffff;
	_ =	sdelay $0x4  }
0x80: {  	v33 =	vshll.u32 v33, $0x2  }
0x81: {  	v34 =	vld [tilespmem:$0xA210];
	v33 =	vor.u32 v1, v33;
	_ =	sdelay $0x4  }
0x82: {  	[tilespmem:v33+s2+$0x0] =	vst.idx.add.f32.msk $0xffff, v34  }
0x83: {  	v33 =	vld.idx.msk [tilespmem:v27+s9+$0x0], $0xffff;
	_ =	sdelay $0x4  }
0x84: {  	v33 =	vshll.u32 v33, $0x2  }
0x85: {  	v34 =	vld [tilespmem:$0xA220];
	v33 =	vor.u32 v1, v33;
	_ =	sdelay $0x4  }
0x86: {  	[tilespmem:v33+s2+$0x0] =	vst.idx.add.f32.msk $0xffff, v34  }
0x87: {  	v33 =	vld.idx.msk [tilespmem:v28+s9+$0x0], $0xffff;
	_ =	sdelay $0x4  }
0x88: {  	v33 =	vshll.u32 v33, $0x2  }
0x89: {  	v34 =	vld [tilespmem:$0xA230];
	v33 =	vor.u32 v1, v33;
	_ =	sdelay $0x4  }
0x8a: {  	[tilespmem:v33+s2+$0x0] =	vst.idx.add.f32.msk $0xffff, v34  }
0x8b: {  	v33 =	vld.idx.msk [tilespmem:v29+s9+$0x0], $0xffff;
	_ =	sdelay $0x4  }
0x8c: {  	v33 =	vshll.u32 v33, $0x2  }
0x8d: {  	v34 =	vld [tilespmem:$0xA240];
	v33 =	vor.u32 v1, v33;
	_ =	sdelay $0x4  }
0x8e: {  	[tilespmem:v33+s2+$0x0] =	vst.idx.add.f32.msk $0xffff, v34  }
0x8f: {  	v33 =	vld.idx.msk [tilespmem:v30+s9+$0x0], $0xffff;
	_ =	sdelay $0x4  }
0x90: {  	v33 =	vshll.u32 v33, $0x2  }
0x91: {  	v34 =	vld [tilespmem:$0xA250];
	v33 =	vor.u32 v1, v33;
	_ =	sdelay $0x4  }
0x92: {  	[tilespmem:v33+s2+$0x0] =	vst.idx.add.f32.msk $0xffff, v34  }
0x93: {  	v33 =	vld.idx.msk [tilespmem:v31+s9+$0x0], $0xffff;
	_ =	sdelay $0x4  }
0x94: {  	v33 =	vshll.u32 v33, $0x2  }
0x95: {  	v34 =	vld [tilespmem:$0xA260];
	v33 =	vor.u32 v1, v33;
	_ =	sdelay $0x4  }
0x96: {  	[tilespmem:v33+s2+$0x0] =	vst.idx.add.f32.msk $0xffff, v34  }
0x97: {  	v33 =	vld.idx.msk [tilespmem:v32+s9+$0x0], $0xffff;
	_ =	sdelay $0x4  }
0x98: {  	v33 =	vshll.u32 v33, $0x2  }
0x99: {  	p0 =	sne.s32 s15, $0x4F0;
	v34 =	vld [tilespmem:$0xA270];
	v33 =	vor.u32 v1, v33  }
.Ltmp0:
0x9a: {  	_ = 	snop;
	(pc) =	sbr.rel @p0 .LBB2_2-.Ltmp0, $2  }
0x9b: {  	_ =	sdelay $0x2  }
0x9c: {  	s15 =	sadd.s32 $0x10, s15;
	s14 =	sadd.s32 $0x40, s14;
	[tilespmem:v33+s2+$0x0] =	vst.idx.add.f32.msk $0xffff, v34  }
0x9d: {  	s13 =	sadd.s32 $0x1, s13  }
0x9e: {  	p0 =	sne.s32 s13, s5  }
.Ltmp1:
0x9f: {  	_ = 	snop;
	(pc) =	sbr.rel @p0 .LBB2_1-.Ltmp1, $4  }
0xa0: {  	[hbm4b:s4+s11] =	stream.strided.scatter [tilespmem:s2], [sflag:$0x1], $0xA000, s12, s11, $0x38;
	[tilespmem:$0xA280] =	vst v63  }
0xa1: {  	_ =	swait.ge [sflag:s8], $0xA000  }
0xa2: {  	[sflag:s8] =	ssyncset.done $0x0  }
0xa3: {  	[sflag:s8] =	ssyncadd.s32 $0xFFFF6000  }
0xa4: {  	_ =	sfence.sel $0x180000  }
0xa5: {  	[bflag:$0x0] =	sbarrier.arrive $0xFFFF  }
0xa6: {  	p0 =	sne.s32 s0, $0x0;
	_ =	strace $0x90000055  }
0xa7: {  	s0 =	sadd.s32 @!p0 $0x100000, s1;
	[bflag:$0x2] =	sbarrier.arrive $0xFFFF  }
0xa8: {  	[sflag:s0] =	ssyncadd.tile.s32 @!p0 $0x1;
	_ =	shalt  }
.Lfunc_end2:
_tile_overlayer_lowered:
.L_overlay_start_2:
0xa9: {  	(tag) =	ssettag $0x2  }
0xaa: {  	s0 =	rddreg [dreg:$0x0];
	s2 =	stileid.u32  }
0xab: {  	s1 =	rddreg [dreg:$0x1];
	p0 =	sne.s32 s2, $0x0  }
0xac: {  	s3 =	rddreg [dreg:$0x2];
	[bflag:$0x3] =	sbarrier.arrive $0xFFFF;
	s2 =	simm.s32 @!p0 $0x1C01  }
0xad: {  	[timem:s3], [sflag:s2] =	dma.local @!p0 [hbm:s0], s1  }
0xae: {  	s0 =	simm.s32 @!p0 $0x1  }
0xaf: {  	_ =	swait.ge @!p0 [sflag:s0], s1  }
0xb0: {  	s1 =	ssub.s32 @!p0 $0x0, s1;
	[sflag:s0] =	ssyncset.done @!p0 $0x0  }
0xb1: {  	[sflag:s0] =	ssyncadd.s32 @!p0 s1  }
0xb2: {  	[bflag:$0x3] =	sbarrier.arrive $0xFFFF  }
0xb3: {  	_ =	shalt  }

// kernel: kernel.7.cloned.1.call-start
scs
__scs_entry_jumppad:
0x0: {  	(pc) =	sbr.rel $0x88, $3  }
0x1: {  	(tag) =	ssettag $0x0;
	lr =	simm.s32 $0x1  }
0x2: {  	[smem:$0x3F95] =	sst lr;
	_ =	strace $0xD0000000  }
0x3: {  	_ = 	snop  }
0x4: {  	_ = 	snop  }
0x5: {  	_ = 	snop  }
0x6: {  	_ = 	snop  }
0x7: {  	_ = 	snop  }
__scs_overlays_trampoline_lowered:
0x8: {  	[smem:$0x3FA4] =	sst s0  }
0x9: {  	[smem:$0x3FA5] =	sst s1  }
0xa: {  	[smem:$0x3FA6] =	sst s2  }
0xb: {  	[smem:$0x3FA7] =	sst s3  }
0xc: {  	[smem:$0x3FA8] =	sst s4  }
0xd: {  	[smem:$0x3FA9] =	sst s5  }
0xe: {  	[smem:$0x3FAA] =	sst s6  }
0xf: {  	[smem:$0x3FAB] =	sst s7  }
0x10: {  	[smem:$0x3FAC] =	sst s8  }
0x11: {  	[smem:$0x3FAD] =	sst s9;
	s0 =	simm.s32 @!p0 $0x0  }
0x12: {  	s1 =	sld [smem:$0x3F93];
	s0 =	simm.s32 @p0 $0x1  }
0x13: {  	[smem:$0x3FAE] =	sst s0;
	s0 =	simm.s32 @!p1 $0x0  }
0x14: {  	s2 =	sld [smem:$0x3F92];
	s0 =	simm.s32 @p1 $0x1  }
0x15: {  	[smem:$0x3FAF] =	sst s0;
	s0 =	simm.s32 @!p2 $0x0  }
0x16: {  	s3 =	sld [smem:$0x3FDB];
	s0 =	simm.s32 @p2 $0x1  }
0x17: {  	s4 =	simm.s32 $0x1BF5;
	[smem:$0x3FB1] =	sst s0  }
0x18: {  	s0 =	sld [smem:$0x3F94];
	_ =	swait.ge [sflag:s4], $0x0  }
0x19: {  	s7 =	sld [smem:$0x3F95]  }
0x1a: {  	s8 =	sadd.s32 $0xFFFFE003, lr  }
0x1b: {  	s9 =	sadd.s32 $0xFFFFFEF7, lr;
	s5 =	simm.s32 $0xFFFFFFFF;
	p2 =	slt.u32 s8, $0xFFFFF086  }
0x1c: {  	p1 =	slt.u32 s9, $0xF7A;
	s5 =	simm.s32 @!p2 $0x0  }
0x1d: {  	s5 =	simm.s32 @p1 $0x1;
	p0 =	seq.s32 s7, s2  }
0x1e: {  	s7 =	smul.u32 @!p0 $0xF7A, s2;
	p2 =	seq.s32 @!p0 s5, $0x0  }
0x1f: {  	s9 =	smul.u32 $0xF7A, s1;
	s8 =	simm.s32 @!p0 $0x1BF5;
	p2 =	por !p2, p0  }
0x20: {  	[sflag:s8] =	ssyncset.s32 @!p0 $0xFFFFF086;
	s6 =	sadd.s32 @!p0 s3, s7;
	s7 =	simm.s32 @!p0 $0x108  }
0x21: {  	s3 =	sadd.s32 s3, s9;
	s6 =	sadd.s32 @!p0 $0x88, s6;
	s7 =	simm.s32 @p2 $0x1082  }
0x22: {  	[simem:s7], [sflag:s8] =	dma.local @!p0 [hbm:s6], $0xF7A  }
0x23: {  	s9 =	sor.u32 $0xD0000000, s2;
	s6 =	simm.s32 $0x108;
	_ =	swait.ge @!p0 [sflag:s8], $0x0  }
0x24: {  	s3 =	sadd.s32 $0x88, s3;
	s6 =	simm.s32 @!p1 $0x1082;
	[sflag:s4] =	ssyncset.s32 $0xFFFFF086  }
0x25: {  	[simem:s6], [sflag:s4] =	dma.local [hbm:s3], $0xF7A  }
0x26: {  	[smem:$0x3F95] =	sst s1;
	(tag) =	ssettag s2;
	_ =	strace s9  }
0x27: {  	s1 =	sld [smem:$0x3FA5]  }
0x28: {  	s2 =	sld [smem:$0x3FA6]  }
0x29: {  	s4 =	sld [smem:$0x3FA8]  }
0x2a: {  	p0 =	seq.s32 s5, $0x0;
	s5 =	sld [smem:$0x3FA9]  }
0x2b: {  	s6 =	sld [smem:$0x3FAA]  }
0x2c: {  	s7 =	sld [smem:$0x3FAB]  }
0x2d: {  	s3 =	simm.s32 $0x108;
	s8 =	sld [smem:$0x3FAC]  }
0x2e: {  	s3 =	simm.s32 @!p0 $0x1082;
	s9 =	sld [smem:$0x3FAD]  }
0x2f: {  	lr =	sadd.s32 s0, s3;
	s0 =	sld [smem:$0x3FA4]  }
0x30: {  	s3 =	sld [smem:$0x3FA7]  }
0x31: {  	[smem:$0x3FB0] =	sst s10  }
0x32: {  	s10 =	sld [smem:$0x3FAE];
	_ =	sdelay $0x3  }
0x33: {  	p0 =	seq.s32 s10, $0x1;
	s10 =	sld [smem:$0x3FB0];
	_ =	sdelay $0x3  }
0x34: {  	[smem:$0x3FB0] =	sst s10  }
0x35: {  	s10 =	sld [smem:$0x3FAF];
	_ =	sdelay $0x3  }
0x36: {  	p1 =	seq.s32 s10, $0x1;
	s10 =	sld [smem:$0x3FB0];
	_ =	sdelay $0x3  }
0x37: {  	[smem:$0x3FB0] =	sst s10  }
0x38: {  	s10 =	sld [smem:$0x3FB1]  }
0x39: {  	_ = 	snop;
	(pc) =	sbr.ind lr, $3  }
0x3a: {  	_ = 	snop  }
0x3b: {  	_ = 	snop  }
0x3c: {  	p2 =	seq.s32 s10, $0x1;
	s10 =	sld [smem:$0x3FB0]  }
0x3d: {  	_ =	shalt  }
0x3e: {  	_ =	shalt  }
0x3f: {  	_ =	shalt  }
0x40: {  	_ =	shalt  }
0x41: {  	_ =	shalt  }
0x42: {  	_ =	shalt  }
0x43: {  	_ =	shalt  }
0x44: {  	_ =	shalt  }
0x45: {  	_ =	shalt  }
0x46: {  	_ =	shalt  }
0x47: {  	_ =	shalt  }
0x48: {  	_ =	shalt  }
0x49: {  	_ =	shalt  }
0x4a: {  	_ =	shalt  }
0x4b: {  	_ =	shalt  }
0x4c: {  	_ =	shalt  }
0x4d: {  	_ =	shalt  }
0x4e: {  	_ =	shalt  }
0x4f: {  	_ =	shalt  }
0x50: {  	_ =	shalt  }
0x51: {  	_ =	shalt  }
0x52: {  	_ =	shalt  }
0x53: {  	_ =	shalt  }
0x54: {  	_ =	shalt  }
0x55: {  	_ =	shalt  }
0x56: {  	_ =	shalt  }
0x57: {  	_ =	shalt  }
0x58: {  	_ =	shalt  }
0x59: {  	_ =	shalt  }
0x5a: {  	_ =	shalt  }
0x5b: {  	_ =	shalt  }
0x5c: {  	_ =	shalt  }
0x5d: {  	_ =	shalt  }
0x5e: {  	_ =	shalt  }
0x5f: {  	_ =	shalt  }
0x60: {  	_ =	shalt  }
0x61: {  	_ =	shalt  }
0x62: {  	_ =	shalt  }
0x63: {  	_ =	shalt  }
0x64: {  	_ =	shalt  }
0x65: {  	_ =	shalt  }
0x66: {  	_ =	shalt  }
0x67: {  	_ =	shalt  }
0x68: {  	_ =	shalt  }
0x69: {  	_ =	shalt  }
0x6a: {  	_ =	shalt  }
0x6b: {  	_ =	shalt  }
0x6c: {  	_ =	shalt  }
0x6d: {  	_ =	shalt  }
0x6e: {  	_ =	shalt  }
0x6f: {  	_ =	shalt  }
0x70: {  	_ =	shalt  }
0x71: {  	_ =	shalt  }
0x72: {  	_ =	shalt  }
0x73: {  	_ =	shalt  }
0x74: {  	_ =	shalt  }
0x75: {  	_ =	shalt  }
0x76: {  	_ =	shalt  }
0x77: {  	_ =	shalt  }
0x78: {  	_ =	shalt  }
0x79: {  	_ =	shalt  }
0x7a: {  	_ =	shalt  }
0x7b: {  	_ =	shalt  }
0x7c: {  	_ =	shalt  }
0x7d: {  	_ =	shalt  }
0x7e: {  	_ =	shalt  }
0x7f: {  	_ =	shalt  }
0x80: {  	_ =	shalt  }
0x81: {  	_ =	shalt  }
0x82: {  	_ =	shalt  }
0x83: {  	_ =	shalt  }
0x84: {  	_ =	shalt  }
0x85: {  	_ =	shalt  }
0x86: {  	_ =	shalt  }
0x87: {  	_ =	shalt  }
.Lfunc_end0:
.L_simem_size_0:
called_computation_lowered:
.L_overlay_start_0:
0x88: {  	s2 =	sld [smem:$0x3FD9]  }
0x89: {  	s3 =	sld [smem:$0x3FFE];
	_ =	sdelay $0x1  }
0x8a: {  	s1 =	srdreg.scid  }
0x8b: {  	s0 =	sand.u32 $0x1, s1  }
0x8c: {  	s16 =	sshll.u32 s0, $0xA;
	s2 =	sadd.s32 s3, s2  }
0x8d: {  	s2 =	sadd.s32 s2, s16  }
0x8e: {  	[smem:$0x3FBC] =	sst s2  }
0x8f: {  	_ = 	snop  }
0x90: {  	(tm) =	ssettm $0x1  }
0x91: {  	s17 =	sld [smem:$0x3FFB];
	_ =	sdelay $0x3  }
0x92: {  	_ =	strace s17  }
0x93: {  	s2 =	sld [smem:$0x3FFC];
	_ =	sdelay $0x3  }
0x94: {  	_ =	strace s2  }
0x95: {  	s2 =	sld [smem:$0x3FFD];
	_ =	sdelay $0x3  }
0x96: {  	_ =	strace s2  }
0x97: {  	_ =	strace $0x8FFFFFFF  }
0x98: {  	s18 =	sld [smem:$0x3FDB];
	_ =	sdelay $0x1  }
0x99: {  	s19 =	simm.s32 $_scs_section_size  }
0x9a: {  	s4 =	simm.s32 $_size__tile_overlayer_lowered;
	s5 =	simm.s32 $_tile_overlayer_lowered  }
0x9b: {  	s22 =	simm.s32 $0x1BFF;
	s21 =	sshll.u32 s5, $0x1;
	s2 =	sadd.s32 s19, s18  }
0x9c: {  	s6 =	simm.s32 $0x0;
	s20 =	sshll.u32 s4, $0x1;
	s4 =	sadd.s32 s21, s2  }
0x9d: {  	[timem:s6], [sflag:s22] =	dma.local [hbm:s4], s20  }
0x9e: {  	_ =	swait.ge [sflag:s22], s20  }
0x9f: {  	s3 =	ssub.s32 $0x0, s20;
	[sflag:s22] =	ssyncset.done $0x0  }
0xa0: {  	[sflag:s22] =	ssyncadd.s32 s3;
	_ =	sdelay $0x1  }
0xa1: {  	s23 =	simm.s32 $0x1B8B  }
0xa2: {  	_ =	swait.ge [sflag:s23], $0x1  }
0xa3: {  	[sflag:s23] =	ssyncset.done $0x0  }
0xa4: {  	s25 =	simm.s32 $0x1B8E;
	s24 =	sld [smem:$0x3FFE];
	[sflag:s23] =	ssyncadd.s32 $0xFFFFFFFF  }
0xa5: {  	s26 =	simm.s32 $execute0_lowered;
	[smem:$0x3FD2] =	sst s25  }
0xa6: {  	s4 =	sshll.u32 s26, $0x1;
	_ =	strace $0x80000046;
	[dreg:$0x1] =	wrdreg $0xFFFFFFFF  }
0xa7: {  	s28 =	simm.s32 $_size_execute0_lowered;
	s2 =	sadd.s32 s2, s4;
	[dreg:$0x0] =	wrdreg $0x0  }
0xa8: {  	s4 =	sshll.u32 s28, $0x1;
	[dreg:$0x2] =	wrdreg s2  }
0xa9: {  	[dreg:$0x3] =	wrdreg s4  }
0xaa: {  	[dreg:$0x4] =	wrdreg $0xC0  }
0xab: {  	_ =	task [dreg:s6], $0x5FFFF  }
0xac: {  	[dreg:$0x1] =	wrdreg $0xFFFFFFFF  }
0xad: {  	[dreg:$0x0] =	wrdreg $0x60  }
0xae: {  	[dreg:$0x2] =	wrdreg s24  }
0xaf: {  	[dreg:$0x3] =	wrdreg $0x9  }
0xb0: {  	_ =	task.clear_ibuf [dreg:s6], $0x4FFFF;
	_ =	strace $0x90000046  }
0xb1: {  	s29 =	simm.s32 $0x9;
	_ =	strace $0x80000053  }
0xb2: {  	_ =	swait.ge [sflag:s29], $0x1  }
0xb3: {  	[sflag:s29] =	ssyncadd.s32 $0xFFFFFFFF  }
0xb4: {  	_ =	strace $0x90000053  }
0xb5: {  	_ =	sfence  }
0xb6: {  	s30 =	sld [smem:$0x0];
	_ =	sdelay $0x2  }
0xb7: {  	s31 =	sshll.u32 s1, $0xD;
	s1 =	sshrl.u32 s1, $0x2  }
0xb8: {  	s3 =	sand.u32 $0x4000, s31;
	s1 =	sadd.s32 s1, s30  }
0xb9: {  	s0 =	sor.u32 s3, s0;
	s1 =	sshll.u32 s1, $0x11  }
0xba: {  	s0 =	sor.u32 s1, s0  }
0xbb: {  	s0 =	sadd.s32 $0x8F2B, s0  }
0xbc: {  	[sflag:s0] =	ssyncadd.remote.s32 $0x1  }
0xbd: {  	_ =	sfence.sel $0xFFFF  }
0xbe: {  	[dreg:$0x0] =	wrdreg $0xFFFFFFFF;
	(pc) =	sbr.abs _section_cstart, $3  }
0xbf: {  	[dreg:$0x1] =	wrdreg $0xFFFFFFFF  }
0xc0: {  	_ =	task.clear_ibuf [dreg:s6], $0x2FFFF;
	_ =	strace $0x9FFFFFFF  }
0xc1: {  	(tm) =	ssettm $0x7FFFFFFF  }
tec
execute0_lowered:
.L_overlay_start_1:
0x0: {  	(tag) =	ssettag $0x1  }
0x1: {  	s0 =	rddreg [dreg:$0x0];
	s1 =	simm.s32 $0x0  }
0x2: {  	s2 =	srdreg.scid;
	s7 =	stileid.u32;
	s14 =	simm.s32 $0x80  }
0x3: {  	s15 =	simm.s32 $0x9;
	s16 =	simm.s32 $0x0;
	[smem:$0x7FF] =	sst s1  }
0x4: {  	s2 =	sand.u32 $0x1, s2;
	s3 =	sadd.s32 $0x16E00, s0;
	s4 =	sadd.s32 $0x3E000, s0  }
0x5: {  	s5 =	sadd.s32 $0x2E00, s0;
	s8 =	sadd.s32 $0x565200, s0;
	s6 =	sshll.u32 s2, $0x4  }
0x6: {  	_ =	strace $0x80000047;
	s2 =	ssub.s32 $0x2, s2;
	s9 =	sor.u32 s7, s6  }
0x7: {  	s6 =	sadd.s32 $0xCE00, s0;
	s31 =	sshrl.u32 s2, $0x1;
	s11 =	smul.u32 $0x500, s9  }
0x8: {  	s7 =	sadd.s32 $0x65200, s0;
	s0 =	ssub.s32 s2, s31;
	s9 =	smul.u32 $0x50, s9  }
0x9: {  	s12 =	smax.u32 s0, $0x1;
	s10 =	sadd.s32 s5, s11;
	s11 =	sadd.s32 s6, s11  }
.LBB2_1:
0xa: {  	_ =	strace $0x80000048  }
0xb: {  	s0 =	simm.s32 $0x100;
	s26 =	simm.s32 $0x1;
	s18 =	simm.s32 $0x50  }
0xc: {  	s28 =	simm.s32 $0x0;
	s17 =	simm.s32 $0x0;
	s19 =	simm.s32 $0x0  }
0xd: {  	[tilespmem:s1], [sflag:$0x1] =	stream.linear.gather [hbm4b:s10+s1], $0x80, $0x200038;
	[tilespmem:$0x10200] =	vst v63  }
0xe: {  	s24 =	simm.s32 $0x0;
	s20 =	simm.s32 $0x0;
	s21 =	simm.s32 $0x0  }
0xf: {  	[tilespmem:s0], [sflag:$0x3] =	stream.linear.gather [hbm4b:s11+s1], $0x80, $0x200038;
	[tilespmem:$0x10200] =	vst v63  }
0x10: {  	s22 =	simm.s32 $0x1;
	s23 =	simm.s32 $0x0;
	_ =	strace $0x90000048  }
.LBB2_2:
0x11: {  	s25 =	sadd.s32 $0x1, s28  }
0x12: {  	p0 =	seq.s32 s25, $0x50  }
0x13: {  	s25 =	simm.s32 @p0 $0x0;
	p0 =	seq.s32 s18, $0x1  }
0x14: {  	p1 =	seq.s32 @!p0 s28, s25  }
0x15: {  	p2 =	por p1, p0  }
0x16: {  	s0 =	sadd.s32 @!p2 s9, s25  }
0x17: {  	s2 =	sand.u32 @!p2 $0x1, s26;
	s0 =	sshll.u32 @!p2 s0, $0x4  }
0x18: {  	_ =	strace @!p2 $0x80000049;
	s31 =	simm.s32 @!p2 $0x0;
	s0 =	sand.u32 @!p2 $0x1FFFFFF0, s0  }
0x19: {  	s29 =	sshll.u32 @!p2 s2, $0x7;
	s2 =	sadd.s32 @!p2 $0x1, s2;
	s30 =	sadd.s32 @!p2 s5, s0  }
0x1a: {  	[tilespmem:s29], [sflag:s2] =	stream.linear.gather @!p2 [hbm4b:s30+s31], $0x80, $0x200038;
	[tilespmem:$0x10200] =	vst v63  }
0x1b: {  	s2 =	sand.u32 @!p2 $0x1, s22  }
0x1c: {  	s0 =	sadd.s32 @!p2 s6, s0;
	_ =	strace @!p2 $0x90000049;
	s29 =	sshll.u32 @!p2 s2, $0x7  }
0x1d: {  	s2 =	sadd.s32 @!p2 $0x3, s2;
	_ =	strace @!p2 $0x8000004A;
	s29 =	sor.u32 @!p2 $0x100, s29  }
0x1e: {  	[tilespmem:s29], [sflag:s2] =	stream.linear.gather @!p2 [hbm4b:s0+s31], $0x80, $0x200038;
	[tilespmem:$0x10200] =	vst v63  }
0x1f: {  	s2 =	sand.u32 $0x1, s23;
	_ =	strace @!p2 $0x9000004A  }
0x20: {  	s0 =	sadd.s32 $0x1, s2;
	_ =	strace $0x8000004B  }
0x21: {  	_ =	swait.ge [sflag:s0], $0x80  }
0x22: {  	[sflag:s0] =	ssyncset.done $0x0  }
0x23: {  	[sflag:s0] =	ssyncadd.s32 $0xFFFFFF80  }
0x24: {  	s13 =	sand.u32 $0x1, s21;
	_ =	strace $0x9000004B  }
0x25: {  	s0 =	sadd.s32 $0x3, s13;
	_ =	strace $0x8000004C  }
0x26: {  	_ =	swait.ge [sflag:s0], $0x80  }
0x27: {  	[sflag:s0] =	ssyncset.done $0x0  }
0x28: {  	s30 =	sand.u32 $0x1, s20;
	[sflag:s0] =	ssyncadd.s32 $0xFFFFFF80  }
0x29: {  	s29 =	sshll.u32 s30, $0xE;
	s31 =	sshll.u32 s23, $0x7;
	_ =	strace $0x9000004C  }
0x2a: {  	s2 =	sand.u32 $0x80, s31;
	s0 =	sor.u32 $0x200, s29;
	_ =	strace $0x8000004D  }
0x2b: {  	[tilespmem:s0], [sflag:$0x9] =	stream.indirect.gather [hbm4b:s3+s14], $0x80, s2, s14, $0x2000b8;
	[tilespmem:$0x10200] =	vst v63  }
0x2c: {  	s31 =	sand.u32 $0x1, s19;
	s13 =	sshll.u32 s21, $0x7;
	_ =	swait.ge [sflag:s15], $0x4000  }
0x2d: {  	s13 =	sand.u32 $0x80, s13;
	s29 =	sshll.u32 s31, $0xE;
	[sflag:s15] =	ssyncset.done $0x0  }
0x2e: {  	s13 =	sor.u32 $0x100, s13;
	s2 =	sor.u32 $0x8200, s29;
	[sflag:s15] =	ssyncadd.s32 $0xFFFFC000  }
0x2f: {  	[tilespmem:s2], [sflag:$0x9] =	stream.indirect.gather [hbm4b:s4+s14], $0x80, s13, s14, $0x2000b8;
	[tilespmem:$0x10200] =	vst v63  }
0x30: {  	p3 =	por p0, !p1;
	_ =	swait.ge [sflag:s15], $0x4000  }
0x31: {  	s13 =	sadd.s32 @p3 s9, s28;
	[sflag:s15] =	ssyncset.done $0x0  }
0x32: {  	s13 =	sshll.u32 @p3 s13, $0xB;
	[sflag:s15] =	ssyncadd.s32 $0xFFFFC000  }
0x33: {  	s29 =	simm.s32 $0x0;
	s13 =	sand.u32 @p3 $0x1FFFF800, s13;
	_ =	strace $0x9000004D  }
0x34: {  	s28 =	sadd.s32 @p3 $0x5, s30;
	s29 =	sadd.s32 @p3 s7, s13;
	_ =	strace @p3 $0x8000004E  }
0x35: {  	[hbm4b:s29+s1] =	stream.linear.scatter @p3 [tilespmem:s0], [sflag:s28], $0x4000, $0x200038;
	[tilespmem:$0x10200] =	vst v63  }
0x36: {  	p1 =	por !p1, p0;
	s20 =	sadd.s32 @p3 $0x1, s20;
	_ =	strace @p3 $0x9000004E  }
0x37: {  	s13 =	sadd.s32 @p3 s8, s13;
	s0 =	sadd.s32 @p3 $0x7, s31;
	_ =	strace @p3 $0x8000004F  }
0x38: {  	[hbm4b:s13+s1] =	stream.linear.scatter @p3 [tilespmem:s2], [sflag:s0], $0x4000, $0x200038;
	[tilespmem:$0x10200] =	vst v63  }
0x39: {  	s29 =	simm.s32 @p3 $0x1;
	_ =	strace @p3 $0x9000004F;
	p3 =	seq.s32 s18, $0x50  }
0x3a: {  	s30 =	smov.u32 s26;
	s28 =	smov.u32 s25;
	s0 =	sand.u32 @!p3 $0x1, s24  }
0x3b: {  	s19 =	sadd.s32 s19, s29;
	_ =	strace @!p3 $0x80000050;
	s0 =	sadd.s32 @!p3 $0x5, s0  }
0x3c: {  	s23 =	sadd.s32 s23, s29;
	s2 =	sadd.s32 @!p2 $0x1, s26;
	_ =	swait.ge @!p3 [sflag:s0], $0x4000  }
0x3d: {  	s30 =	smov.u32 @p1 s2;
	s18 =	sadd.s32 $0xFFFFFFFF, s18;
	[sflag:s0] =	ssyncset.done @!p3 $0x0  }
0x3e: {  	s13 =	sand.u32 @!p3 $0x1, s17;
	[sflag:s0] =	ssyncadd.s32 @!p3 $0xFFFFC000;
	s0 =	simm.s32 $0x0  }
0x3f: {  	s30 =	smov.u32 @p0 s26;
	s2 =	simm.s32 @!p3 $0x1;
	s0 =	simm.s32 @p1 $0x1  }
0x40: {  	_ =	strace @!p3 $0x90000050;
	s0 =	simm.s32 @p0 $0x0;
	p0 =	sne.s32 s18, $0x0  }
.Ltmp0:
0x41: {  	s13 =	sadd.s32 @!p3 $0x7, s13;
	_ =	strace @!p3 $0x80000051;
	(pc) =	sbr.rel @p0 .LBB2_2-.Ltmp0, $4  }
0x42: {  	s21 =	sadd.s32 s21, s29;
	s2 =	simm.s32 @p3 $0x0;
	_ =	swait.ge @!p3 [sflag:s13], $0x4000  }
0x43: {  	s22 =	sadd.s32 s22, s0;
	s0 =	sadd.s32 @!p3 $0x1, s24;
	[sflag:s13] =	ssyncset.done @!p3 $0x0  }
0x44: {  	s26 =	smov.u32 s30;
	s0 =	smov.u32 @p3 s24;
	[sflag:s13] =	ssyncadd.s32 @!p3 $0xFFFFC000  }
0x45: {  	s17 =	sadd.s32 s17, s2;
	s24 =	smov.u32 s0;
	_ =	strace @!p3 $0x90000051  }
0x46: {  	s0 =	sand.u32 $0x1, s0  }
0x47: {  	_ =	strace $0x80000052;
	s0 =	sadd.s32 $0x5, s0  }
0x48: {  	s16 =	sadd.s32 $0x1, s16;
	_ =	swait.ge [sflag:s0], $0x4000  }
0x49: {  	s2 =	sand.u32 $0x1, s17;
	p0 =	sne.s32 s16, s12;
	[sflag:s0] =	ssyncset.done $0x0  }
.Ltmp1:
0x4a: {  	s31 =	sadd.s32 $0x7, s2;
	[sflag:s0] =	ssyncadd.s32 $0xFFFFC000;
	(pc) =	sbr.rel @p0 .LBB2_1-.Ltmp1, $4  }
0x4b: {  	_ =	swait.ge [sflag:s31], $0x4000  }
0x4c: {  	[sflag:s31] =	ssyncset.done $0x0  }
0x4d: {  	[sflag:s31] =	ssyncadd.s32 $0xFFFFC000  }
0x4e: {  	_ =	strace $0x90000052  }
0x4f: {  	_ =	sfence.sel $0x180000  }
0x50: {  	[bflag:$0x0] =	sbarrier.arrive $0xFFFF  }
0x51: {  	_ =	strace $0x90000047  }
0x52: {  	s0 =	stileid.u32;
	[bflag:$0x2] =	sbarrier.arrive $0xFFFF  }
0x53: {  	p0 =	sne.s32 s0, $0x0;
	s0 =	rddreg [dreg:$0x1]  }
0x54: {  	s0 =	sadd.s32 @!p0 $0x100000, s0  }
0x55: {  	[sflag:s0] =	ssyncadd.tile.s32 @!p0 $0x1;
	_ =	shalt  }
.Lfunc_end2:
_tile_overlayer_lowered:
.L_overlay_start_2:
0x56: {  	(tag) =	ssettag $0x2  }
0x57: {  	s0 =	rddreg [dreg:$0x0];
	s2 =	stileid.u32  }
0x58: {  	s1 =	rddreg [dreg:$0x1];
	p0 =	sne.s32 s2, $0x0  }
0x59: {  	s3 =	rddreg [dreg:$0x2];
	[bflag:$0x3] =	sbarrier.arrive $0xFFFF;
	s2 =	simm.s32 @!p0 $0x1C01  }
0x5a: {  	[timem:s3], [sflag:s2] =	dma.local @!p0 [hbm:s0], s1  }
0x5b: {  	s0 =	simm.s32 @!p0 $0x1  }
0x5c: {  	_ =	swait.ge @!p0 [sflag:s0], s1  }
0x5d: {  	s1 =	ssub.s32 @!p0 $0x0, s1;
	[sflag:s0] =	ssyncset.done @!p0 $0x0  }
0x5e: {  	[sflag:s0] =	ssyncadd.s32 @!p0 s1  }
0x5f: {  	[bflag:$0x3] =	sbarrier.arrive $0xFFFF  }
0x60: {  	_ =	shalt  }

</sc_bundles>
